<compile_context>
chip_gen: v7x
topology: tpu7x:2x2x1
jax: 0.10.2.dev20260603
libtpu: 0.0.44.dev20260713+nightly
codegen_flags: <defaults>
</compile_context>

<pallas_src>
import jax
import jax.numpy as jnp
from jax import lax
from jax.experimental import pallas as pl
from jax.experimental.pallas import tpu as pltpu
from jax.experimental.pallas import tpu_sc as plsc

N = 10000
E = 320000
F_IN = 128
H = 8
C = 16
FW = H * C + 16
NEG_SLOPE = 0.2

NC = 2
NS = 16
NW = NC * NS
CK = 80
NCHUNK = E // CK
NMY = NCHUNK // NW
NB = 3
NBI = 4

ROWS_A = 632
ROWS_LAST = N - (NS - 1) * ROWS_A

BN = 1000



def _proj_body(x_ref, w_ref, asrc_ref, adst_ref, hx_ref, a3_ref):
    hb = jnp.dot(x_ref[...], w_ref[...], preferred_element_type=jnp.float32)
    ii = lax.broadcasted_iota(jnp.int32, (H * C, H), 0) // C
    jj = lax.broadcasted_iota(jnp.int32, (H * C, H), 1)
    eye = jnp.where(ii == jj, 1.0, 0.0)
    s_src = eye * asrc_ref[...]
    s_dst = eye * adst_ref[...]
    s2 = jnp.concatenate([s_src, s_dst], axis=1)
    s3 = jnp.concatenate([s_dst, s_src], axis=1)
    a2 = jnp.dot(hb, s2, preferred_element_type=jnp.float32)
    hx_ref[...] = jnp.concatenate([hb, a2], axis=1)
    a3_ref[...] = jnp.dot(hb, s3, preferred_element_type=jnp.float32)


def _project(x, W, asrc, adst):
    return pl.pallas_call(
        _proj_body,
        grid=(N // BN,),
        in_specs=[
            pl.BlockSpec((BN, F_IN), lambda i: (i, 0)),
            pl.BlockSpec((F_IN, H * C), lambda i: (0, 0)),
            pl.BlockSpec((H * C, 1), lambda i: (0, 0)),
            pl.BlockSpec((H * C, 1), lambda i: (0, 0)),
        ],
        out_specs=[
            pl.BlockSpec((BN, FW), lambda i: (i, 0)),
            pl.BlockSpec((BN, 16), lambda i: (i, 0)),
        ],
        out_shape=[
            jax.ShapeDtypeStruct((N, FW), jnp.float32),
            jax.ShapeDtypeStruct((N, 16), jnp.float32),
        ],
    )(x, W, asrc, adst)



def _edge_body(src_hbm, dst_hbm, hx_hbm, a3_hbm, z_hbm,
               raw_out,
               src_c, dst_c, t2, msg, sem_i, sem_g, sem_s, raw_sp):
    cid = lax.axis_index("c")
    sid = lax.axis_index("s")
    wid = sid * NC + cid

    row0 = sid * ROWS_A

    @pl.when(sid < NS - 1)
    def _zmain():
        pltpu.sync_copy(z_hbm, raw_sp.at[pl.ds(row0, ROWS_A)])

    @pl.when(sid == NS - 1)
    def _ztail():
        pltpu.sync_copy(z_hbm.at[pl.ds(0, ROWS_LAST)],
                        raw_sp.at[pl.ds(row0, ROWS_LAST)])

    plsc.subcore_barrier()

    lanes = lax.iota(jnp.int32, 16)
    head_mask = lanes < H

    def idx_start(t):
        q = lax.rem(t, NBI)
        chunk = wid + t * NW
        pltpu.async_copy(src_hbm.at[chunk], src_c.at[q], sem_i.at[q])
        pltpu.async_copy(dst_hbm.at[chunk], dst_c.at[q], sem_i.at[q])

    def idx_wait(t):
        q = lax.rem(t, NBI)
        pltpu.make_async_copy(src_hbm.at[0], src_c.at[q], sem_i.at[q]).wait()
        pltpu.make_async_copy(dst_hbm.at[0], dst_c.at[q], sem_i.at[q]).wait()

    def gathers_start(t, p):
        q = lax.rem(t, NBI)
        pltpu.async_copy(hx_hbm.at[src_c.at[q]], msg.at[p], sem_g.at[p])
        pltpu.async_copy(a3_hbm.at[dst_c.at[q]], t2.at[p], sem_g.at[p])

    def gathers_wait(p):
        pltpu.make_async_copy(hx_hbm.at[src_c.at[0]], msg.at[p],
                              sem_g.at[p]).wait()
        pltpu.make_async_copy(a3_hbm.at[dst_c.at[0]], t2.at[p],
                              sem_g.at[p]).wait()

    def scatter_wait(p):
        pltpu.make_async_copy(msg.at[p], raw_sp.at[dst_c.at[0]],
                              sem_s.at[p]).wait()

    idx_start(0)
    idx_start(1)
    idx_wait(0)
    gathers_start(0, 0)

    @pl.loop(0, NMY)
    def _chunks(t):
        p = lax.rem(t, NB)
        pn = lax.rem(t + 1, NB)

        @pl.when(t + 1 < NMY)
        def _prefetch():
            @pl.when(t + 1 >= NB)
            def _():
                scatter_wait(pn)

            @pl.when(t + 2 < NMY)
            def _():
                idx_start(t + 2)

            idx_wait(t + 1)
            gathers_start(t + 1, pn)

        gathers_wait(p)

        @plsc.parallel_loop(0, CK, unroll=8)
        def _eloop(e):
            v = msg[p, e, pl.ds(H * C, 16)] + t2[p, e]
            v = jnp.where(v >= 0.0, v, NEG_SLOPE * v)
            w = jnp.exp(v)
            w = jnp.where(head_mask, w, 0.0)
            msg[p, e, pl.ds(H * C, 16)] = w
            for hh in range(H):
                ws = w[hh]
                msg[p, e, pl.ds(hh * C, C)] = msg[p, e, pl.ds(hh * C, C)] * ws

        pltpu.async_copy(msg.at[p], raw_sp.at[dst_c.at[lax.rem(t, NBI)]],
                         sem_s.at[p], add=True)

    scatter_wait(lax.rem(jnp.int32(NMY - 2), NB))
    scatter_wait(lax.rem(jnp.int32(NMY - 1), NB))
    scatter_wait(lax.rem(jnp.int32(NMY), NB))

    plsc.subcore_barrier()

    @pl.when(sid < NS - 1)
    def _pmain():
        pltpu.sync_copy(raw_sp.at[pl.ds(row0, ROWS_A)],
                        raw_out.at[cid, pl.ds(row0, ROWS_A)])

    @pl.when(sid == NS - 1)
    def _ptail():
        pltpu.sync_copy(raw_sp.at[pl.ds(row0, ROWS_LAST)],
                        raw_out.at[cid, pl.ds(row0, ROWS_LAST)])


def _edge_pass(src, dst, hx, a3, z):
    mesh = plsc.VectorSubcoreMesh(
        core_axis_name="c", subcore_axis_name="s", num_cores=NC,
        num_subcores=NS)
    return pl.kernel(
        _edge_body,
        out_type=jax.ShapeDtypeStruct((NC, N, FW), jnp.float32),
        mesh=mesh,
        compiler_params=pltpu.CompilerParams(use_tc_tiling_on_sc=False),
        scratch_types=[
            pltpu.VMEM((NBI, CK), jnp.int32),
            pltpu.VMEM((NBI, CK), jnp.int32),
            pltpu.VMEM((NB, CK, 16), jnp.float32),
            pltpu.VMEM((NB, CK, FW), jnp.float32),
            pltpu.SemaphoreType.DMA((NBI,)),
            pltpu.SemaphoreType.DMA((NB,)),
            pltpu.SemaphoreType.DMA((NB,)),
            pltpu.VMEM_SHARED((N, FW), jnp.float32),
        ],
    )(src, dst, hx, a3, z)



def _combine_body(raw_ref, bias_ref, out_ref):
    r = raw_ref[0] + raw_ref[1]
    d = r[:, H * C:]
    j = lax.broadcasted_iota(jnp.int32, (BN, 16), 1)
    d = d + jnp.where(j >= H, 1.0, 0.0)
    dinv = 1.0 / (d + 1e-16)
    rr = lax.broadcasted_iota(jnp.int32, (16, H * C), 0)
    cdx = lax.broadcasted_iota(jnp.int32, (16, H * C), 1) // C
    expand = jnp.where(rr == cdx, 1.0, 0.0)
    rec = jnp.dot(dinv, expand, preferred_element_type=jnp.float32)
    out_ref[...] = r[:, :H * C] * rec + bias_ref[...]


def _combine(raw, bias2d):
    return pl.pallas_call(
        _combine_body,
        grid=(N // BN,),
        in_specs=[
            pl.BlockSpec((NC, BN, FW), lambda i: (0, i, 0)),
            pl.BlockSpec((1, H * C), lambda i: (0, 0)),
        ],
        out_specs=pl.BlockSpec((BN, H * C), lambda i: (i, 0)),
        out_shape=jax.ShapeDtypeStruct((N, H * C), jnp.float32),
    )(raw, bias2d)



def kernel(x, edge_index, W, att_src, att_dst, bias):
    src = edge_index[0].astype(jnp.int32).reshape(NCHUNK, CK)
    dst = edge_index[1].astype(jnp.int32).reshape(NCHUNK, CK)

    hx, a3 = _project(x, W, att_src.reshape(H * C, 1),
                      att_dst.reshape(H * C, 1))

    z = jnp.zeros((ROWS_A, FW), jnp.float32)
    raw = _edge_pass(src, dst, hx, a3, z)

    return _combine(raw, bias.reshape(1, H * C))

# --- scband reference (transcript-rebuilt; emitter-appended) ---
"""Pipeline reference for scband-gatsingle-layer-13280038879721 (READ-ONLY COPY).

The authoritative reference and input builder live on the scoring server;
editing this copy changes nothing except your own understanding.
"""

import jax, jax.numpy as jnp
import numpy as np

N = 10000
E = 320000
F_IN = 128
H = 8
C = 16
NEG_SLOPE = 0.2


def setup_inputs(seed: int = 0) -> dict:
    key = jax.random.key(seed)
    k1, k2, k3, k4, k5 = jax.random.split(key, 5)
    x = jax.random.normal(k1, (N, F_IN), dtype=jnp.float32)
    edge_index = jax.random.randint(k2, (2, E), 0, N)
    # Learned parameters (GATConv): linear weight, attention vectors, bias (zeros-init per bias_init)
    glorot_w = float(np.sqrt(6.0 / (F_IN + H * C)))
    W = jax.random.uniform(k3, (F_IN, H * C), dtype=jnp.float32, minval=-glorot_w, maxval=glorot_w)
    glorot_a = float(np.sqrt(6.0 / (1 + C)))
    att_src = jax.random.uniform(k4, (H, C), dtype=jnp.float32, minval=-glorot_a, maxval=glorot_a)
    att_dst = jax.random.uniform(k5, (H, C), dtype=jnp.float32, minval=-glorot_a, maxval=glorot_a)
    bias = jnp.zeros((H * C,), dtype=jnp.float32)
    return {"x": x, "edge_index": edge_index, "W": W, "att_src": att_src, "att_dst": att_dst, "bias": bias}


def reference(x, edge_index, W, att_src, att_dst, bias):
    # GATConv forward (add_self_loops=False, concat heads)
    src = edge_index[0]
    dst = edge_index[1]
    h = (x @ W).reshape(N, H, C)                       # [N, H, C]
    a_src = jnp.sum(h * att_src[None, :, :], axis=-1)  # [N, H]
    a_dst = jnp.sum(h * att_dst[None, :, :], axis=-1)  # [N, H]
    alpha = a_src[src] + a_dst[dst]                    # [E, H]  (gather)
    alpha = jax.nn.leaky_relu(alpha, NEG_SLOPE)
    # segment softmax over incoming edges of each dst node
    amax = jax.ops.segment_max(alpha, dst, num_segments=N)
    amax = jnp.where(jnp.isfinite(amax), amax, 0.0)
    ex = jnp.exp(alpha - amax[dst])
    denom = jax.ops.segment_sum(ex, dst, num_segments=N)
    attn = ex / (denom[dst] + 1e-16)                   # [E, H]
    msg = h[src] * attn[:, :, None]                    # [E, H, C] (gather + weight)
    out = jax.ops.segment_sum(msg, dst, num_segments=N)  # [N, H, C] (scatter-add)
    out = out.reshape(N, H * C) + bias
    return out

if __name__ == "__main__":
    import jax
    _d = setup_inputs()
    print(jax.jit(kernel)(*tuple(_d.values())))

</pallas_src>

<mosaic_0001>
#map = affine_map<(d0, d1) -> (0, 0)>
#map1 = affine_map<(d0, d1) -> (0, 0, 0)>
module attributes {stable_mosaic.version = 14 : i64} {
  func.func @_edge_body(%arg0: i32, %arg1: i32, %arg2: memref<4000x80xi32, #tpu.memory_space<hbm>>, %arg3: memref<4000x80xi32, #tpu.memory_space<hbm>>, %arg4: memref<10000x144xf32, #tpu.memory_space<hbm>>, %arg5: memref<10000x16xf32, #tpu.memory_space<hbm>>, %arg6: memref<632x144xf32, #tpu.memory_space<hbm>>, %arg7: memref<2x10000x144xf32, #tpu.memory_space<hbm>>, %arg8: memref<4x80xi32, #tpu.memory_space<vmem>>, %arg9: memref<4x80xi32, #tpu.memory_space<vmem>>, %arg10: memref<3x80x16xf32, #tpu.memory_space<vmem>>, %arg11: memref<3x80x144xf32, #tpu.memory_space<vmem>>, %arg12: memref<4x!tpu.dma_semaphore, #tpu.memory_space<semaphore_mem>>, %arg13: memref<3x!tpu.dma_semaphore, #tpu.memory_space<semaphore_mem>>, %arg14: memref<3x!tpu.dma_semaphore, #tpu.memory_space<semaphore_mem>>, %arg15: memref<10000x144xf32, #tpu.memory_space<vmem_shared>>) attributes {dimension_semantics = [#tpu.dimension_semantics<core_parallel>, #tpu.dimension_semantics<subcore_parallel>], iteration_bounds = array<i64: 2, 16>, scalar_prefetch = 0 : i64, scratch_operands = 8 : i64, tpu.core_type = #tpu.core_type<sc_vector_subcore>, window_params = [{transform_indices = #map}, {transform_indices = #map}, {transform_indices = #map}, {transform_indices = #map}, {transform_indices = #map}, {transform_indices = #map1}]} {
    %mul3A = arith.constant 2 : i32
    %mul3A_0 = arith.muli %arg1, %mul3A : i32
    %add3A = arith.addi %mul3A_0, %arg0 : i32
    %mul3A_1 = arith.constant 632 : i32
    %mul3A_2 = arith.muli %arg1, %mul3A_1 : i32
    %lt3A = arith.constant 15 : i32
    %lt3A_3 = arith.cmpi slt, %arg1, %lt3A : i32
    %convert_element_type3A = arith.extui %lt3A_3 : i1 to i32
    %cond3A = arith.constant 0 : i32
    %cond3A_4 = arith.cmpi ne, %convert_element_type3A, %cond3A : i32
    scf.if %cond3A_4 {
      "tpu.region"() ({
        %run_scoped3A = tpu.sem_alloc : memref<!tpu.dma_semaphore, #tpu.memory_space<semaphore_mem>>
        %dma_start3A_202 = arith.constant 0 : i32
        %dma_start3A_203 = tpu.memref_slice %arg15[%mul3A_2, %dma_start3A_202] : memref<10000x144xf32, #tpu.memory_space<vmem_shared>> -> memref<632x144xf32, #tpu.memory_space<vmem_shared>>
        tpu.enqueue_dma source(%arg6 : memref<632x144xf32, #tpu.memory_space<hbm>>) target(%dma_start3A_203 : memref<632x144xf32, #tpu.memory_space<vmem_shared>>) target_semaphore(%run_scoped3A : memref<!tpu.dma_semaphore, #tpu.memory_space<semaphore_mem>>)
        %dma_wait3A_204 = arith.constant 0 : i32
        %dma_wait3A_205 = tpu.memref_slice %arg15[%mul3A_2, %dma_wait3A_204] : memref<10000x144xf32, #tpu.memory_space<vmem_shared>> -> memref<632x144xf32, #tpu.memory_space<vmem_shared>>
        tpu.wait_dma2 semaphore(%run_scoped3A : memref<!tpu.dma_semaphore, #tpu.memory_space<semaphore_mem>>) src(%arg6 : memref<632x144xf32, #tpu.memory_space<hbm>>) dst(%dma_wait3A_205 : memref<632x144xf32, #tpu.memory_space<vmem_shared>>)
        tpu.yield
      }) : () -> ()
    } else {
    }
    %eq3A = arith.constant 15 : i32
    %eq3A_5 = arith.cmpi eq, %arg1, %eq3A : i32
    %convert_element_type3A_6 = arith.extui %eq3A_5 : i1 to i32
    %cond3A_7 = arith.constant 0 : i32
    %cond3A_8 = arith.cmpi ne, %convert_element_type3A_6, %cond3A_7 : i32
    scf.if %cond3A_8 {
      "tpu.region"() ({
        %run_scoped3A = tpu.sem_alloc : memref<!tpu.dma_semaphore, #tpu.memory_space<semaphore_mem>>
        %dma_start3A_202 = arith.constant 0 : i32
        %dma_start3A_203 = tpu.memref_slice %arg15[%mul3A_2, %dma_start3A_202] : memref<10000x144xf32, #tpu.memory_space<vmem_shared>> -> memref<520x144xf32, #tpu.memory_space<vmem_shared>>
        %dma_start3A_204 = arith.constant 0 : i32
        %dma_start3A_205 = arith.constant 0 : i32
        %dma_start3A_206 = tpu.memref_slice %arg6[%dma_start3A_204, %dma_start3A_205] : memref<632x144xf32, #tpu.memory_space<hbm>> -> memref<520x144xf32, #tpu.memory_space<hbm>>
        tpu.enqueue_dma source(%dma_start3A_206 : memref<520x144xf32, #tpu.memory_space<hbm>>) target(%dma_start3A_203 : memref<520x144xf32, #tpu.memory_space<vmem_shared>>) target_semaphore(%run_scoped3A : memref<!tpu.dma_semaphore, #tpu.memory_space<semaphore_mem>>)
        %dma_wait3A_207 = arith.constant 0 : i32
        %dma_wait3A_208 = tpu.memref_slice %arg15[%mul3A_2, %dma_wait3A_207] : memref<10000x144xf32, #tpu.memory_space<vmem_shared>> -> memref<520x144xf32, #tpu.memory_space<vmem_shared>>
        %dma_wait3A_209 = arith.constant 0 : i32
        %dma_wait3A_210 = arith.constant 0 : i32
        %dma_wait3A_211 = tpu.memref_slice %arg6[%dma_wait3A_209, %dma_wait3A_210] : memref<632x144xf32, #tpu.memory_space<hbm>> -> memref<520x144xf32, #tpu.memory_space<hbm>>
        tpu.wait_dma2 semaphore(%run_scoped3A : memref<!tpu.dma_semaphore, #tpu.memory_space<semaphore_mem>>) src(%dma_wait3A_211 : memref<520x144xf32, #tpu.memory_space<hbm>>) dst(%dma_wait3A_208 : memref<520x144xf32, #tpu.memory_space<vmem_shared>>)
        tpu.yield
      }) : () -> ()
    } else {
    }
    %barrier3A = arith.constant 0 : index
    tpu.barrier barrier_id(%barrier3A)
    %iota3A = tpu.iota {dimensions = array<i32: 0>} : vector<16xi32>
    %lt3A_9 = arith.constant 8 : i32
    %lt3A_10 = vector.broadcast %lt3A_9 : i32 to vector<16xi32>
    %lt3A_11 = arith.cmpi slt, %iota3A, %lt3A_10 : vector<16xi32>
    %rem3A = arith.constant 0 : i32
    %rem3A_12 = arith.constant 4 : i32
    %rem3A_13 = arith.remsi %rem3A, %rem3A_12 : i32
    %add3A_14 = arith.constant 0 : i32
    %add3A_15 = arith.addi %add3A, %add3A_14 : i32
    %dma_start3A = arith.constant 0 : i32
    %dma_start3A_16 = tpu.memref_slice %arg8[%rem3A_13, %dma_start3A] : memref<4x80xi32, #tpu.memory_space<vmem>> -> memref<1x80xi32, #tpu.memory_space<vmem>>
    %dma_start3A_17 = tpu.memref_squeeze %dma_start3A_16 : memref<1x80xi32, #tpu.memory_space<vmem>> -> memref<80xi32, #tpu.memory_space<vmem>>
    %dma_start3A_18 = arith.constant 0 : i32
    %dma_start3A_19 = tpu.memref_slice %arg2[%add3A_15, %dma_start3A_18] : memref<4000x80xi32, #tpu.memory_space<hbm>> -> memref<1x80xi32, #tpu.memory_space<hbm>>
    %dma_start3A_20 = tpu.memref_squeeze %dma_start3A_19 : memref<1x80xi32, #tpu.memory_space<hbm>> -> memref<80xi32, #tpu.memory_space<hbm>>
    %dma_start3A_21 = tpu.memref_slice %arg12[%rem3A_13] : memref<4x!tpu.dma_semaphore, #tpu.memory_space<semaphore_mem>> -> memref<1x!tpu.dma_semaphore, #tpu.memory_space<semaphore_mem>>
    %dma_start3A_22 = tpu.memref_squeeze %dma_start3A_21 : memref<1x!tpu.dma_semaphore, #tpu.memory_space<semaphore_mem>> -> memref<!tpu.dma_semaphore, #tpu.memory_space<semaphore_mem>>
    %dma_start3A_23 = arith.constant 0 : i32
    %dma_start3A_24 = tpu.memref_slice %arg8[%rem3A_13, %dma_start3A_23] : memref<4x80xi32, #tpu.memory_space<vmem>> -> memref<1x80xi32, #tpu.memory_space<vmem>>
    %dma_start3A_25 = tpu.memref_squeeze %dma_start3A_24 : memref<1x80xi32, #tpu.memory_space<vmem>> -> memref<80xi32, #tpu.memory_space<vmem>>
    %dma_start3A_26 = arith.constant 0 : i32
    %dma_start3A_27 = tpu.memref_slice %arg2[%add3A_15, %dma_start3A_26] : memref<4000x80xi32, #tpu.memory_space<hbm>> -> memref<1x80xi32, #tpu.memory_space<hbm>>
    %dma_start3A_28 = tpu.memref_squeeze %dma_start3A_27 : memref<1x80xi32, #tpu.memory_space<hbm>> -> memref<80xi32, #tpu.memory_space<hbm>>
    tpu.enqueue_dma source(%dma_start3A_28 : memref<80xi32, #tpu.memory_space<hbm>>) target(%dma_start3A_25 : memref<80xi32, #tpu.memory_space<vmem>>) target_semaphore(%dma_start3A_22 : memref<!tpu.dma_semaphore, #tpu.memory_space<semaphore_mem>>)
    %dma_start3A_29 = arith.constant 0 : i32
    %dma_start3A_30 = tpu.memref_slice %arg9[%rem3A_13, %dma_start3A_29] : memref<4x80xi32, #tpu.memory_space<vmem>> -> memref<1x80xi32, #tpu.memory_space<vmem>>
    %dma_start3A_31 = tpu.memref_squeeze %dma_start3A_30 : memref<1x80xi32, #tpu.memory_space<vmem>> -> memref<80xi32, #tpu.memory_space<vmem>>
    %dma_start3A_32 = arith.constant 0 : i32
    %dma_start3A_33 = tpu.memref_slice %arg3[%add3A_15, %dma_start3A_32] : memref<4000x80xi32, #tpu.memory_space<hbm>> -> memref<1x80xi32, #tpu.memory_space<hbm>>
    %dma_start3A_34 = tpu.memref_squeeze %dma_start3A_33 : memref<1x80xi32, #tpu.memory_space<hbm>> -> memref<80xi32, #tpu.memory_space<hbm>>
    %dma_start3A_35 = tpu.memref_slice %arg12[%rem3A_13] : memref<4x!tpu.dma_semaphore, #tpu.memory_space<semaphore_mem>> -> memref<1x!tpu.dma_semaphore, #tpu.memory_space<semaphore_mem>>
    %dma_start3A_36 = tpu.memref_squeeze %dma_start3A_35 : memref<1x!tpu.dma_semaphore, #tpu.memory_space<semaphore_mem>> -> memref<!tpu.dma_semaphore, #tpu.memory_space<semaphore_mem>>
    %dma_start3A_37 = arith.constant 0 : i32
    %dma_start3A_38 = tpu.memref_slice %arg9[%rem3A_13, %dma_start3A_37] : memref<4x80xi32, #tpu.memory_space<vmem>> -> memref<1x80xi32, #tpu.memory_space<vmem>>
    %dma_start3A_39 = tpu.memref_squeeze %dma_start3A_38 : memref<1x80xi32, #tpu.memory_space<vmem>> -> memref<80xi32, #tpu.memory_space<vmem>>
    %dma_start3A_40 = arith.constant 0 : i32
    %dma_start3A_41 = tpu.memref_slice %arg3[%add3A_15, %dma_start3A_40] : memref<4000x80xi32, #tpu.memory_space<hbm>> -> memref<1x80xi32, #tpu.memory_space<hbm>>
    %dma_start3A_42 = tpu.memref_squeeze %dma_start3A_41 : memref<1x80xi32, #tpu.memory_space<hbm>> -> memref<80xi32, #tpu.memory_space<hbm>>
    tpu.enqueue_dma source(%dma_start3A_42 : memref<80xi32, #tpu.memory_space<hbm>>) target(%dma_start3A_39 : memref<80xi32, #tpu.memory_space<vmem>>) target_semaphore(%dma_start3A_36 : memref<!tpu.dma_semaphore, #tpu.memory_space<semaphore_mem>>)
    %rem3A_43 = arith.constant 1 : i32
    %rem3A_44 = arith.constant 4 : i32
    %rem3A_45 = arith.remsi %rem3A_43, %rem3A_44 : i32
    %add3A_46 = arith.constant 32 : i32
    %add3A_47 = arith.addi %add3A, %add3A_46 : i32
    %dma_start3A_48 = arith.constant 0 : i32
    %dma_start3A_49 = tpu.memref_slice %arg8[%rem3A_45, %dma_start3A_48] : memref<4x80xi32, #tpu.memory_space<vmem>> -> memref<1x80xi32, #tpu.memory_space<vmem>>
    %dma_start3A_50 = tpu.memref_squeeze %dma_start3A_49 : memref<1x80xi32, #tpu.memory_space<vmem>> -> memref<80xi32, #tpu.memory_space<vmem>>
    %dma_start3A_51 = arith.constant 0 : i32
    %dma_start3A_52 = tpu.memref_slice %arg2[%add3A_47, %dma_start3A_51] : memref<4000x80xi32, #tpu.memory_space<hbm>> -> memref<1x80xi32, #tpu.memory_space<hbm>>
    %dma_start3A_53 = tpu.memref_squeeze %dma_start3A_52 : memref<1x80xi32, #tpu.memory_space<hbm>> -> memref<80xi32, #tpu.memory_space<hbm>>
    %dma_start3A_54 = tpu.memref_slice %arg12[%rem3A_45] : memref<4x!tpu.dma_semaphore, #tpu.memory_space<semaphore_mem>> -> memref<1x!tpu.dma_semaphore, #tpu.memory_space<semaphore_mem>>
    %dma_start3A_55 = tpu.memref_squeeze %dma_start3A_54 : memref<1x!tpu.dma_semaphore, #tpu.memory_space<semaphore_mem>> -> memref<!tpu.dma_semaphore, #tpu.memory_space<semaphore_mem>>
    %dma_start3A_56 = arith.constant 0 : i32
    %dma_start3A_57 = tpu.memref_slice %arg8[%rem3A_45, %dma_start3A_56] : memref<4x80xi32, #tpu.memory_space<vmem>> -> memref<1x80xi32, #tpu.memory_space<vmem>>
    %dma_start3A_58 = tpu.memref_squeeze %dma_start3A_57 : memref<1x80xi32, #tpu.memory_space<vmem>> -> memref<80xi32, #tpu.memory_space<vmem>>
    %dma_start3A_59 = arith.constant 0 : i32
    %dma_start3A_60 = tpu.memref_slice %arg2[%add3A_47, %dma_start3A_59] : memref<4000x80xi32, #tpu.memory_space<hbm>> -> memref<1x80xi32, #tpu.memory_space<hbm>>
    %dma_start3A_61 = tpu.memref_squeeze %dma_start3A_60 : memref<1x80xi32, #tpu.memory_space<hbm>> -> memref<80xi32, #tpu.memory_space<hbm>>
    tpu.enqueue_dma source(%dma_start3A_61 : memref<80xi32, #tpu.memory_space<hbm>>) target(%dma_start3A_58 : memref<80xi32, #tpu.memory_space<vmem>>) target_semaphore(%dma_start3A_55 : memref<!tpu.dma_semaphore, #tpu.memory_space<semaphore_mem>>)
    %dma_start3A_62 = arith.constant 0 : i32
    %dma_start3A_63 = tpu.memref_slice %arg9[%rem3A_45, %dma_start3A_62] : memref<4x80xi32, #tpu.memory_space<vmem>> -> memref<1x80xi32, #tpu.memory_space<vmem>>
    %dma_start3A_64 = tpu.memref_squeeze %dma_start3A_63 : memref<1x80xi32, #tpu.memory_space<vmem>> -> memref<80xi32, #tpu.memory_space<vmem>>
    %dma_start3A_65 = arith.constant 0 : i32
    %dma_start3A_66 = tpu.memref_slice %arg3[%add3A_47, %dma_start3A_65] : memref<4000x80xi32, #tpu.memory_space<hbm>> -> memref<1x80xi32, #tpu.memory_space<hbm>>
    %dma_start3A_67 = tpu.memref_squeeze %dma_start3A_66 : memref<1x80xi32, #tpu.memory_space<hbm>> -> memref<80xi32, #tpu.memory_space<hbm>>
    %dma_start3A_68 = tpu.memref_slice %arg12[%rem3A_45] : memref<4x!tpu.dma_semaphore, #tpu.memory_space<semaphore_mem>> -> memref<1x!tpu.dma_semaphore, #tpu.memory_space<semaphore_mem>>
    %dma_start3A_69 = tpu.memref_squeeze %dma_start3A_68 : memref<1x!tpu.dma_semaphore, #tpu.memory_space<semaphore_mem>> -> memref<!tpu.dma_semaphore, #tpu.memory_space<semaphore_mem>>
    %dma_start3A_70 = arith.constant 0 : i32
    %dma_start3A_71 = tpu.memref_slice %arg9[%rem3A_45, %dma_start3A_70] : memref<4x80xi32, #tpu.memory_space<vmem>> -> memref<1x80xi32, #tpu.memory_space<vmem>>
    %dma_start3A_72 = tpu.memref_squeeze %dma_start3A_71 : memref<1x80xi32, #tpu.memory_space<vmem>> -> memref<80xi32, #tpu.memory_space<vmem>>
    %dma_start3A_73 = arith.constant 0 : i32
    %dma_start3A_74 = tpu.memref_slice %arg3[%add3A_47, %dma_start3A_73] : memref<4000x80xi32, #tpu.memory_space<hbm>> -> memref<1x80xi32, #tpu.memory_space<hbm>>
    %dma_start3A_75 = tpu.memref_squeeze %dma_start3A_74 : memref<1x80xi32, #tpu.memory_space<hbm>> -> memref<80xi32, #tpu.memory_space<hbm>>
    tpu.enqueue_dma source(%dma_start3A_75 : memref<80xi32, #tpu.memory_space<hbm>>) target(%dma_start3A_72 : memref<80xi32, #tpu.memory_space<vmem>>) target_semaphore(%dma_start3A_69 : memref<!tpu.dma_semaphore, #tpu.memory_space<semaphore_mem>>)
    %rem3A_76 = arith.constant 0 : i32
    %rem3A_77 = arith.constant 4 : i32
    %rem3A_78 = arith.remsi %rem3A_76, %rem3A_77 : i32
    %dma_wait3A = arith.constant 0 : i32
    %dma_wait3A_79 = arith.constant 0 : i32
    %dma_wait3A_80 = tpu.memref_slice %arg8[%rem3A_78, %dma_wait3A_79] : memref<4x80xi32, #tpu.memory_space<vmem>> -> memref<1x80xi32, #tpu.memory_space<vmem>>
    %dma_wait3A_81 = tpu.memref_squeeze %dma_wait3A_80 : memref<1x80xi32, #tpu.memory_space<vmem>> -> memref<80xi32, #tpu.memory_space<vmem>>
    %dma_wait3A_82 = arith.constant 0 : i32
    %dma_wait3A_83 = tpu.memref_slice %arg2[%dma_wait3A, %dma_wait3A_82] : memref<4000x80xi32, #tpu.memory_space<hbm>> -> memref<1x80xi32, #tpu.memory_space<hbm>>
    %dma_wait3A_84 = tpu.memref_squeeze %dma_wait3A_83 : memref<1x80xi32, #tpu.memory_space<hbm>> -> memref<80xi32, #tpu.memory_space<hbm>>
    %dma_wait3A_85 = tpu.memref_slice %arg12[%rem3A_78] : memref<4x!tpu.dma_semaphore, #tpu.memory_space<semaphore_mem>> -> memref<1x!tpu.dma_semaphore, #tpu.memory_space<semaphore_mem>>
    %dma_wait3A_86 = tpu.memref_squeeze %dma_wait3A_85 : memref<1x!tpu.dma_semaphore, #tpu.memory_space<semaphore_mem>> -> memref<!tpu.dma_semaphore, #tpu.memory_space<semaphore_mem>>
    %dma_wait3A_87 = arith.constant 0 : i32
    %dma_wait3A_88 = tpu.memref_slice %arg8[%rem3A_78, %dma_wait3A_87] : memref<4x80xi32, #tpu.memory_space<vmem>> -> memref<1x80xi32, #tpu.memory_space<vmem>>
    %dma_wait3A_89 = tpu.memref_squeeze %dma_wait3A_88 : memref<1x80xi32, #tpu.memory_space<vmem>> -> memref<80xi32, #tpu.memory_space<vmem>>
    %dma_wait3A_90 = arith.constant 0 : i32
    %dma_wait3A_91 = tpu.memref_slice %arg2[%dma_wait3A, %dma_wait3A_90] : memref<4000x80xi32, #tpu.memory_space<hbm>> -> memref<1x80xi32, #tpu.memory_space<hbm>>
    %dma_wait3A_92 = tpu.memref_squeeze %dma_wait3A_91 : memref<1x80xi32, #tpu.memory_space<hbm>> -> memref<80xi32, #tpu.memory_space<hbm>>
    tpu.wait_dma2 semaphore(%dma_wait3A_86 : memref<!tpu.dma_semaphore, #tpu.memory_space<semaphore_mem>>) src(%dma_wait3A_92 : memref<80xi32, #tpu.memory_space<hbm>>) dst(%dma_wait3A_89 : memref<80xi32, #tpu.memory_space<vmem>>)
    %dma_wait3A_93 = arith.constant 0 : i32
    %dma_wait3A_94 = arith.constant 0 : i32
    %dma_wait3A_95 = tpu.memref_slice %arg9[%rem3A_78, %dma_wait3A_94] : memref<4x80xi32, #tpu.memory_space<vmem>> -> memref<1x80xi32, #tpu.memory_space<vmem>>
    %dma_wait3A_96 = tpu.memref_squeeze %dma_wait3A_95 : memref<1x80xi32, #tpu.memory_space<vmem>> -> memref<80xi32, #tpu.memory_space<vmem>>
    %dma_wait3A_97 = arith.constant 0 : i32
    %dma_wait3A_98 = tpu.memref_slice %arg3[%dma_wait3A_93, %dma_wait3A_97] : memref<4000x80xi32, #tpu.memory_space<hbm>> -> memref<1x80xi32, #tpu.memory_space<hbm>>
    %dma_wait3A_99 = tpu.memref_squeeze %dma_wait3A_98 : memref<1x80xi32, #tpu.memory_space<hbm>> -> memref<80xi32, #tpu.memory_space<hbm>>
    %dma_wait3A_100 = tpu.memref_slice %arg12[%rem3A_78] : memref<4x!tpu.dma_semaphore, #tpu.memory_space<semaphore_mem>> -> memref<1x!tpu.dma_semaphore, #tpu.memory_space<semaphore_mem>>
    %dma_wait3A_101 = tpu.memref_squeeze %dma_wait3A_100 : memref<1x!tpu.dma_semaphore, #tpu.memory_space<semaphore_mem>> -> memref<!tpu.dma_semaphore, #tpu.memory_space<semaphore_mem>>
    %dma_wait3A_102 = arith.constant 0 : i32
    %dma_wait3A_103 = tpu.memref_slice %arg9[%rem3A_78, %dma_wait3A_102] : memref<4x80xi32, #tpu.memory_space<vmem>> -> memref<1x80xi32, #tpu.memory_space<vmem>>
    %dma_wait3A_104 = tpu.memref_squeeze %dma_wait3A_103 : memref<1x80xi32, #tpu.memory_space<vmem>> -> memref<80xi32, #tpu.memory_space<vmem>>
    %dma_wait3A_105 = arith.constant 0 : i32
    %dma_wait3A_106 = tpu.memref_slice %arg3[%dma_wait3A_93, %dma_wait3A_105] : memref<4000x80xi32, #tpu.memory_space<hbm>> -> memref<1x80xi32, #tpu.memory_space<hbm>>
    %dma_wait3A_107 = tpu.memref_squeeze %dma_wait3A_106 : memref<1x80xi32, #tpu.memory_space<hbm>> -> memref<80xi32, #tpu.memory_space<hbm>>
    tpu.wait_dma2 semaphore(%dma_wait3A_101 : memref<!tpu.dma_semaphore, #tpu.memory_space<semaphore_mem>>) src(%dma_wait3A_107 : memref<80xi32, #tpu.memory_space<hbm>>) dst(%dma_wait3A_104 : memref<80xi32, #tpu.memory_space<vmem>>)
    %rem3A_108 = arith.constant 0 : i32
    %rem3A_109 = arith.constant 4 : i32
    %rem3A_110 = arith.remsi %rem3A_108, %rem3A_109 : i32
    %dma_start3A_111 = arith.constant 0 : i32
    %dma_start3A_112 = arith.constant 0 : i32
    %dma_start3A_113 = arith.constant 0 : i32
    %dma_start3A_114 = arith.constant 0 : i32
    %dma_start3A_115 = tpu.memref_slice %arg11[%dma_start3A_111, %dma_start3A_113, %dma_start3A_114] : memref<3x80x144xf32, #tpu.memory_space<vmem>> -> memref<1x80x144xf32, #tpu.memory_space<vmem>>
    %dma_start3A_116 = tpu.memref_squeeze %dma_start3A_115 : memref<1x80x144xf32, #tpu.memory_space<vmem>> -> memref<80x144xf32, #tpu.memory_space<vmem>>
    %dma_start3A_117 = arith.constant 0 : i32
    %dma_start3A_118 = tpu.memref_slice %arg8[%rem3A_110, %dma_start3A_117] : memref<4x80xi32, #tpu.memory_space<vmem>> -> memref<1x80xi32, #tpu.memory_space<vmem>>
    %dma_start3A_119 = tpu.memref_squeeze %dma_start3A_118 : memref<1x80xi32, #tpu.memory_space<vmem>> -> memref<80xi32, #tpu.memory_space<vmem>>
    %dma_start3A_120 = arith.constant 0 : i32
    %dma_start3A_121 = arith.constant 0 : i32
    %dma_start3A_122 = tpu.memref_slice %arg4[%dma_start3A_120, %dma_start3A_121] : memref<10000x144xf32, #tpu.memory_space<hbm>> -> memref<10000x144xf32, #tpu.memory_space<hbm>>
    %dma_start3A_123 = tpu.memref_slice %arg13[%dma_start3A_112] : memref<3x!tpu.dma_semaphore, #tpu.memory_space<semaphore_mem>> -> memref<1x!tpu.dma_semaphore, #tpu.memory_space<semaphore_mem>>
    %dma_start3A_124 = tpu.memref_squeeze %dma_start3A_123 : memref<1x!tpu.dma_semaphore, #tpu.memory_space<semaphore_mem>> -> memref<!tpu.dma_semaphore, #tpu.memory_space<semaphore_mem>>
    tpu.enqueue_indirect_dma source(%dma_start3A_122 : memref<10000x144xf32, #tpu.memory_space<hbm>>) target(%dma_start3A_116 : memref<80x144xf32, #tpu.memory_space<vmem>>) offsets(%dma_start3A_119 : memref<80xi32, #tpu.memory_space<vmem>>) semaphore(%dma_start3A_124 : memref<!tpu.dma_semaphore, #tpu.memory_space<semaphore_mem>>)
    %dma_start3A_125 = arith.constant 0 : i32
    %dma_start3A_126 = arith.constant 0 : i32
    %dma_start3A_127 = arith.constant 0 : i32
    %dma_start3A_128 = arith.constant 0 : i32
    %dma_start3A_129 = tpu.memref_slice %arg10[%dma_start3A_125, %dma_start3A_127, %dma_start3A_128] : memref<3x80x16xf32, #tpu.memory_space<vmem>> -> memref<1x80x16xf32, #tpu.memory_space<vmem>>
    %dma_start3A_130 = tpu.memref_squeeze %dma_start3A_129 : memref<1x80x16xf32, #tpu.memory_space<vmem>> -> memref<80x16xf32, #tpu.memory_space<vmem>>
    %dma_start3A_131 = arith.constant 0 : i32
    %dma_start3A_132 = tpu.memref_slice %arg9[%rem3A_110, %dma_start3A_131] : memref<4x80xi32, #tpu.memory_space<vmem>> -> memref<1x80xi32, #tpu.memory_space<vmem>>
    %dma_start3A_133 = tpu.memref_squeeze %dma_start3A_132 : memref<1x80xi32, #tpu.memory_space<vmem>> -> memref<80xi32, #tpu.memory_space<vmem>>
    %dma_start3A_134 = arith.constant 0 : i32
    %dma_start3A_135 = arith.constant 0 : i32
    %dma_start3A_136 = tpu.memref_slice %arg5[%dma_start3A_134, %dma_start3A_135] : memref<10000x16xf32, #tpu.memory_space<hbm>> -> memref<10000x16xf32, #tpu.memory_space<hbm>>
    %dma_start3A_137 = tpu.memref_slice %arg13[%dma_start3A_126] : memref<3x!tpu.dma_semaphore, #tpu.memory_space<semaphore_mem>> -> memref<1x!tpu.dma_semaphore, #tpu.memory_space<semaphore_mem>>
    %dma_start3A_138 = tpu.memref_squeeze %dma_start3A_137 : memref<1x!tpu.dma_semaphore, #tpu.memory_space<semaphore_mem>> -> memref<!tpu.dma_semaphore, #tpu.memory_space<semaphore_mem>>
    tpu.enqueue_indirect_dma source(%dma_start3A_136 : memref<10000x16xf32, #tpu.memory_space<hbm>>) target(%dma_start3A_130 : memref<80x16xf32, #tpu.memory_space<vmem>>) offsets(%dma_start3A_133 : memref<80xi32, #tpu.memory_space<vmem>>) semaphore(%dma_start3A_138 : memref<!tpu.dma_semaphore, #tpu.memory_space<semaphore_mem>>)
    %scan3A = arith.constant 0 : i32
    %scan3A_139 = arith.constant 125 : i32
    %scan3A_140 = arith.addi %scan3A, %scan3A_139 : i32
    %scan3A_141 = arith.constant 1 : i32
    scf.for %scan3A_202 = %scan3A to %scan3A_140 step %scan3A_141  : i32 {
      %mul3A_203 = arith.constant 1 : i32
      %mul3A_204 = arith.muli %scan3A_202, %mul3A_203 : i32
      %add3A_205 = arith.constant 0 : i32
      %add3A_206 = arith.addi %add3A_205, %mul3A_204 : i32
      %rem3A_207 = arith.constant 3 : i32
      %rem3A_208 = arith.remsi %add3A_206, %rem3A_207 : i32
      %add3A_209 = arith.constant 1 : i32
      %add3A_210 = arith.addi %add3A_206, %add3A_209 : i32
      %rem3A_211 = arith.constant 3 : i32
      %rem3A_212 = arith.remsi %add3A_210, %rem3A_211 : i32
      %add3A_213 = arith.constant 1 : i32
      %add3A_214 = arith.addi %add3A_206, %add3A_213 : i32
      %lt3A_215 = arith.constant 125 : i32
      %lt3A_216 = arith.cmpi slt, %add3A_214, %lt3A_215 : i32
      %convert_element_type3A_217 = arith.extui %lt3A_216 : i1 to i32
      %cond3A_218 = arith.constant 0 : i32
      %cond3A_219 = arith.cmpi ne, %convert_element_type3A_217, %cond3A_218 : i32
      scf.if %cond3A_219 {
        %add3A_262 = arith.constant 1 : i32
        %add3A_263 = arith.addi %add3A_206, %add3A_262 : i32
        %ge3A = arith.constant 3 : i32
        %ge3A_264 = arith.cmpi sge, %add3A_263, %ge3A : i32
        %convert_element_type3A_265 = arith.extui %ge3A_264 : i1 to i32
        %cond3A_266 = arith.constant 0 : i32
        %cond3A_267 = arith.cmpi ne, %convert_element_type3A_265, %cond3A_266 : i32
        scf.if %cond3A_267 {
          %dma_wait3A_337 = arith.constant 0 : i32
          %dma_wait3A_338 = arith.constant 0 : i32
          %dma_wait3A_339 = arith.constant 0 : i32
          %dma_wait3A_340 = tpu.memref_slice %arg11[%rem3A_212, %dma_wait3A_338, %dma_wait3A_339] : memref<3x80x144xf32, #tpu.memory_space<vmem>> -> memref<1x80x144xf32, #tpu.memory_space<vmem>>
          %dma_wait3A_341 = tpu.memref_squeeze %dma_wait3A_340 : memref<1x80x144xf32, #tpu.memory_space<vmem>> -> memref<80x144xf32, #tpu.memory_space<vmem>>
          %dma_wait3A_342 = arith.constant 0 : i32
          %dma_wait3A_343 = tpu.memref_slice %arg9[%dma_wait3A_337, %dma_wait3A_342] : memref<4x80xi32, #tpu.memory_space<vmem>> -> memref<1x80xi32, #tpu.memory_space<vmem>>
          %dma_wait3A_344 = tpu.memref_squeeze %dma_wait3A_343 : memref<1x80xi32, #tpu.memory_space<vmem>> -> memref<80xi32, #tpu.memory_space<vmem>>
          %dma_wait3A_345 = arith.constant 0 : i32
          %dma_wait3A_346 = arith.constant 0 : i32
          %dma_wait3A_347 = tpu.memref_slice %arg15[%dma_wait3A_345, %dma_wait3A_346] : memref<10000x144xf32, #tpu.memory_space<vmem_shared>> -> memref<10000x144xf32, #tpu.memory_space<vmem_shared>>
          %dma_wait3A_348 = tpu.memref_slice %arg14[%rem3A_212] : memref<3x!tpu.dma_semaphore, #tpu.memory_space<semaphore_mem>> -> memref<1x!tpu.dma_semaphore, #tpu.memory_space<semaphore_mem>>
          %dma_wait3A_349 = tpu.memref_squeeze %dma_wait3A_348 : memref<1x!tpu.dma_semaphore, #tpu.memory_space<semaphore_mem>> -> memref<!tpu.dma_semaphore, #tpu.memory_space<semaphore_mem>>
          tpu.wait_indirect_dma semaphore(%dma_wait3A_349 : memref<!tpu.dma_semaphore, #tpu.memory_space<semaphore_mem>>) src(%dma_wait3A_341 : memref<80x144xf32, #tpu.memory_space<vmem>>) dst(%dma_wait3A_347 : memref<10000x144xf32, #tpu.memory_space<vmem_shared>>)
        } else {
        }
        %add3A_268 = arith.constant 2 : i32
        %add3A_269 = arith.addi %add3A_206, %add3A_268 : i32
        %lt3A_270 = arith.constant 125 : i32
        %lt3A_271 = arith.cmpi slt, %add3A_269, %lt3A_270 : i32
        %convert_element_type3A_272 = arith.extui %lt3A_271 : i1 to i32
        %cond3A_273 = arith.constant 0 : i32
        %cond3A_274 = arith.cmpi ne, %convert_element_type3A_272, %cond3A_273 : i32
        scf.if %cond3A_274 {
          %add3A_337 = arith.constant 2 : i32
          %add3A_338 = arith.addi %add3A_206, %add3A_337 : i32
          %rem3A_339 = arith.constant 4 : i32
          %rem3A_340 = arith.remsi %add3A_338, %rem3A_339 : i32
          %mul3A_341 = arith.constant 32 : i32
          %mul3A_342 = arith.muli %add3A_338, %mul3A_341 : i32
          %add3A_343 = arith.addi %add3A, %mul3A_342 : i32
          %dma_start3A_344 = arith.constant 0 : i32
          %dma_start3A_345 = tpu.memref_slice %arg8[%rem3A_340, %dma_start3A_344] : memref<4x80xi32, #tpu.memory_space<vmem>> -> memref<1x80xi32, #tpu.memory_space<vmem>>
          %dma_start3A_346 = tpu.memref_squeeze %dma_start3A_345 : memref<1x80xi32, #tpu.memory_space<vmem>> -> memref<80xi32, #tpu.memory_space<vmem>>
          %dma_start3A_347 = arith.constant 0 : i32
          %dma_start3A_348 = tpu.memref_slice %arg2[%add3A_343, %dma_start3A_347] : memref<4000x80xi32, #tpu.memory_space<hbm>> -> memref<1x80xi32, #tpu.memory_space<hbm>>
          %dma_start3A_349 = tpu.memref_squeeze %dma_start3A_348 : memref<1x80xi32, #tpu.memory_space<hbm>> -> memref<80xi32, #tpu.memory_space<hbm>>
          %dma_start3A_350 = tpu.memref_slice %arg12[%rem3A_340] : memref<4x!tpu.dma_semaphore, #tpu.memory_space<semaphore_mem>> -> memref<1x!tpu.dma_semaphore, #tpu.memory_space<semaphore_mem>>
          %dma_start3A_351 = tpu.memref_squeeze %dma_start3A_350 : memref<1x!tpu.dma_semaphore, #tpu.memory_space<semaphore_mem>> -> memref<!tpu.dma_semaphore, #tpu.memory_space<semaphore_mem>>
          %dma_start3A_352 = arith.constant 0 : i32
          %dma_start3A_353 = tpu.memref_slice %arg8[%rem3A_340, %dma_start3A_352] : memref<4x80xi32, #tpu.memory_space<vmem>> -> memref<1x80xi32, #tpu.memory_space<vmem>>
          %dma_start3A_354 = tpu.memref_squeeze %dma_start3A_353 : memref<1x80xi32, #tpu.memory_space<vmem>> -> memref<80xi32, #tpu.memory_space<vmem>>
          %dma_start3A_355 = arith.constant 0 : i32
          %dma_start3A_356 = tpu.memref_slice %arg2[%add3A_343, %dma_start3A_355] : memref<4000x80xi32, #tpu.memory_space<hbm>> -> memref<1x80xi32, #tpu.memory_space<hbm>>
          %dma_start3A_357 = tpu.memref_squeeze %dma_start3A_356 : memref<1x80xi32, #tpu.memory_space<hbm>> -> memref<80xi32, #tpu.memory_space<hbm>>
          tpu.enqueue_dma source(%dma_start3A_357 : memref<80xi32, #tpu.memory_space<hbm>>) target(%dma_start3A_354 : memref<80xi32, #tpu.memory_space<vmem>>) target_semaphore(%dma_start3A_351 : memref<!tpu.dma_semaphore, #tpu.memory_space<semaphore_mem>>)
          %dma_start3A_358 = arith.constant 0 : i32
          %dma_start3A_359 = tpu.memref_slice %arg9[%rem3A_340, %dma_start3A_358] : memref<4x80xi32, #tpu.memory_space<vmem>> -> memref<1x80xi32, #tpu.memory_space<vmem>>
          %dma_start3A_360 = tpu.memref_squeeze %dma_start3A_359 : memref<1x80xi32, #tpu.memory_space<vmem>> -> memref<80xi32, #tpu.memory_space<vmem>>
          %dma_start3A_361 = arith.constant 0 : i32
          %dma_start3A_362 = tpu.memref_slice %arg3[%add3A_343, %dma_start3A_361] : memref<4000x80xi32, #tpu.memory_space<hbm>> -> memref<1x80xi32, #tpu.memory_space<hbm>>
          %dma_start3A_363 = tpu.memref_squeeze %dma_start3A_362 : memref<1x80xi32, #tpu.memory_space<hbm>> -> memref<80xi32, #tpu.memory_space<hbm>>
          %dma_start3A_364 = tpu.memref_slice %arg12[%rem3A_340] : memref<4x!tpu.dma_semaphore, #tpu.memory_space<semaphore_mem>> -> memref<1x!tpu.dma_semaphore, #tpu.memory_space<semaphore_mem>>
          %dma_start3A_365 = tpu.memref_squeeze %dma_start3A_364 : memref<1x!tpu.dma_semaphore, #tpu.memory_space<semaphore_mem>> -> memref<!tpu.dma_semaphore, #tpu.memory_space<semaphore_mem>>
          %dma_start3A_366 = arith.constant 0 : i32
          %dma_start3A_367 = tpu.memref_slice %arg9[%rem3A_340, %dma_start3A_366] : memref<4x80xi32, #tpu.memory_space<vmem>> -> memref<1x80xi32, #tpu.memory_space<vmem>>
          %dma_start3A_368 = tpu.memref_squeeze %dma_start3A_367 : memref<1x80xi32, #tpu.memory_space<vmem>> -> memref<80xi32, #tpu.memory_space<vmem>>
          %dma_start3A_369 = arith.constant 0 : i32
          %dma_start3A_370 = tpu.memref_slice %arg3[%add3A_343, %dma_start3A_369] : memref<4000x80xi32, #tpu.memory_space<hbm>> -> memref<1x80xi32, #tpu.memory_space<hbm>>
          %dma_start3A_371 = tpu.memref_squeeze %dma_start3A_370 : memref<1x80xi32, #tpu.memory_space<hbm>> -> memref<80xi32, #tpu.memory_space<hbm>>
          tpu.enqueue_dma source(%dma_start3A_371 : memref<80xi32, #tpu.memory_space<hbm>>) target(%dma_start3A_368 : memref<80xi32, #tpu.memory_space<vmem>>) target_semaphore(%dma_start3A_365 : memref<!tpu.dma_semaphore, #tpu.memory_space<semaphore_mem>>)
        } else {
        }
        %add3A_275 = arith.constant 1 : i32
        %add3A_276 = arith.addi %add3A_206, %add3A_275 : i32
        %rem3A_277 = arith.constant 4 : i32
        %rem3A_278 = arith.remsi %add3A_276, %rem3A_277 : i32
        %dma_wait3A_279 = arith.constant 0 : i32
        %dma_wait3A_280 = arith.constant 0 : i32
        %dma_wait3A_281 = tpu.memref_slice %arg8[%rem3A_278, %dma_wait3A_280] : memref<4x80xi32, #tpu.memory_space<vmem>> -> memref<1x80xi32, #tpu.memory_space<vmem>>
        %dma_wait3A_282 = tpu.memref_squeeze %dma_wait3A_281 : memref<1x80xi32, #tpu.memory_space<vmem>> -> memref<80xi32, #tpu.memory_space<vmem>>
        %dma_wait3A_283 = arith.constant 0 : i32
        %dma_wait3A_284 = tpu.memref_slice %arg2[%dma_wait3A_279, %dma_wait3A_283] : memref<4000x80xi32, #tpu.memory_space<hbm>> -> memref<1x80xi32, #tpu.memory_space<hbm>>
        %dma_wait3A_285 = tpu.memref_squeeze %dma_wait3A_284 : memref<1x80xi32, #tpu.memory_space<hbm>> -> memref<80xi32, #tpu.memory_space<hbm>>
        %dma_wait3A_286 = tpu.memref_slice %arg12[%rem3A_278] : memref<4x!tpu.dma_semaphore, #tpu.memory_space<semaphore_mem>> -> memref<1x!tpu.dma_semaphore, #tpu.memory_space<semaphore_mem>>
        %dma_wait3A_287 = tpu.memref_squeeze %dma_wait3A_286 : memref<1x!tpu.dma_semaphore, #tpu.memory_space<semaphore_mem>> -> memref<!tpu.dma_semaphore, #tpu.memory_space<semaphore_mem>>
        %dma_wait3A_288 = arith.constant 0 : i32
        %dma_wait3A_289 = tpu.memref_slice %arg8[%rem3A_278, %dma_wait3A_288] : memref<4x80xi32, #tpu.memory_space<vmem>> -> memref<1x80xi32, #tpu.memory_space<vmem>>
        %dma_wait3A_290 = tpu.memref_squeeze %dma_wait3A_289 : memref<1x80xi32, #tpu.memory_space<vmem>> -> memref<80xi32, #tpu.memory_space<vmem>>
        %dma_wait3A_291 = arith.constant 0 : i32
        %dma_wait3A_292 = tpu.memref_slice %arg2[%dma_wait3A_279, %dma_wait3A_291] : memref<4000x80xi32, #tpu.memory_space<hbm>> -> memref<1x80xi32, #tpu.memory_space<hbm>>
        %dma_wait3A_293 = tpu.memref_squeeze %dma_wait3A_292 : memref<1x80xi32, #tpu.memory_space<hbm>> -> memref<80xi32, #tpu.memory_space<hbm>>
        tpu.wait_dma2 semaphore(%dma_wait3A_287 : memref<!tpu.dma_semaphore, #tpu.memory_space<semaphore_mem>>) src(%dma_wait3A_293 : memref<80xi32, #tpu.memory_space<hbm>>) dst(%dma_wait3A_290 : memref<80xi32, #tpu.memory_space<vmem>>)
        %dma_wait3A_294 = arith.constant 0 : i32
        %dma_wait3A_295 = arith.constant 0 : i32
        %dma_wait3A_296 = tpu.memref_slice %arg9[%rem3A_278, %dma_wait3A_295] : memref<4x80xi32, #tpu.memory_space<vmem>> -> memref<1x80xi32, #tpu.memory_space<vmem>>
        %dma_wait3A_297 = tpu.memref_squeeze %dma_wait3A_296 : memref<1x80xi32, #tpu.memory_space<vmem>> -> memref<80xi32, #tpu.memory_space<vmem>>
        %dma_wait3A_298 = arith.constant 0 : i32
        %dma_wait3A_299 = tpu.memref_slice %arg3[%dma_wait3A_294, %dma_wait3A_298] : memref<4000x80xi32, #tpu.memory_space<hbm>> -> memref<1x80xi32, #tpu.memory_space<hbm>>
        %dma_wait3A_300 = tpu.memref_squeeze %dma_wait3A_299 : memref<1x80xi32, #tpu.memory_space<hbm>> -> memref<80xi32, #tpu.memory_space<hbm>>
        %dma_wait3A_301 = tpu.memref_slice %arg12[%rem3A_278] : memref<4x!tpu.dma_semaphore, #tpu.memory_space<semaphore_mem>> -> memref<1x!tpu.dma_semaphore, #tpu.memory_space<semaphore_mem>>
        %dma_wait3A_302 = tpu.memref_squeeze %dma_wait3A_301 : memref<1x!tpu.dma_semaphore, #tpu.memory_space<semaphore_mem>> -> memref<!tpu.dma_semaphore, #tpu.memory_space<semaphore_mem>>
        %dma_wait3A_303 = arith.constant 0 : i32
        %dma_wait3A_304 = tpu.memref_slice %arg9[%rem3A_278, %dma_wait3A_303] : memref<4x80xi32, #tpu.memory_space<vmem>> -> memref<1x80xi32, #tpu.memory_space<vmem>>
        %dma_wait3A_305 = tpu.memref_squeeze %dma_wait3A_304 : memref<1x80xi32, #tpu.memory_space<vmem>> -> memref<80xi32, #tpu.memory_space<vmem>>
        %dma_wait3A_306 = arith.constant 0 : i32
        %dma_wait3A_307 = tpu.memref_slice %arg3[%dma_wait3A_294, %dma_wait3A_306] : memref<4000x80xi32, #tpu.memory_space<hbm>> -> memref<1x80xi32, #tpu.memory_space<hbm>>
        %dma_wait3A_308 = tpu.memref_squeeze %dma_wait3A_307 : memref<1x80xi32, #tpu.memory_space<hbm>> -> memref<80xi32, #tpu.memory_space<hbm>>
        tpu.wait_dma2 semaphore(%dma_wait3A_302 : memref<!tpu.dma_semaphore, #tpu.memory_space<semaphore_mem>>) src(%dma_wait3A_308 : memref<80xi32, #tpu.memory_space<hbm>>) dst(%dma_wait3A_305 : memref<80xi32, #tpu.memory_space<vmem>>)
        %add3A_309 = arith.constant 1 : i32
        %add3A_310 = arith.addi %add3A_206, %add3A_309 : i32
        %rem3A_311 = arith.constant 4 : i32
        %rem3A_312 = arith.remsi %add3A_310, %rem3A_311 : i32
        %dma_start3A_313 = arith.constant 0 : i32
        %dma_start3A_314 = arith.constant 0 : i32
        %dma_start3A_315 = tpu.memref_slice %arg11[%rem3A_212, %dma_start3A_313, %dma_start3A_314] : memref<3x80x144xf32, #tpu.memory_space<vmem>> -> memref<1x80x144xf32, #tpu.memory_space<vmem>>
        %dma_start3A_316 = tpu.memref_squeeze %dma_start3A_315 : memref<1x80x144xf32, #tpu.memory_space<vmem>> -> memref<80x144xf32, #tpu.memory_space<vmem>>
        %dma_start3A_317 = arith.constant 0 : i32
        %dma_start3A_318 = tpu.memref_slice %arg8[%rem3A_312, %dma_start3A_317] : memref<4x80xi32, #tpu.memory_space<vmem>> -> memref<1x80xi32, #tpu.memory_space<vmem>>
        %dma_start3A_319 = tpu.memref_squeeze %dma_start3A_318 : memref<1x80xi32, #tpu.memory_space<vmem>> -> memref<80xi32, #tpu.memory_space<vmem>>
        %dma_start3A_320 = arith.constant 0 : i32
        %dma_start3A_321 = arith.constant 0 : i32
        %dma_start3A_322 = tpu.memref_slice %arg4[%dma_start3A_320, %dma_start3A_321] : memref<10000x144xf32, #tpu.memory_space<hbm>> -> memref<10000x144xf32, #tpu.memory_space<hbm>>
        %dma_start3A_323 = tpu.memref_slice %arg13[%rem3A_212] : memref<3x!tpu.dma_semaphore, #tpu.memory_space<semaphore_mem>> -> memref<1x!tpu.dma_semaphore, #tpu.memory_space<semaphore_mem>>
        %dma_start3A_324 = tpu.memref_squeeze %dma_start3A_323 : memref<1x!tpu.dma_semaphore, #tpu.memory_space<semaphore_mem>> -> memref<!tpu.dma_semaphore, #tpu.memory_space<semaphore_mem>>
        tpu.enqueue_indirect_dma source(%dma_start3A_322 : memref<10000x144xf32, #tpu.memory_space<hbm>>) target(%dma_start3A_316 : memref<80x144xf32, #tpu.memory_space<vmem>>) offsets(%dma_start3A_319 : memref<80xi32, #tpu.memory_space<vmem>>) semaphore(%dma_start3A_324 : memref<!tpu.dma_semaphore, #tpu.memory_space<semaphore_mem>>)
        %dma_start3A_325 = arith.constant 0 : i32
        %dma_start3A_326 = arith.constant 0 : i32
        %dma_start3A_327 = tpu.memref_slice %arg10[%rem3A_212, %dma_start3A_325, %dma_start3A_326] : memref<3x80x16xf32, #tpu.memory_space<vmem>> -> memref<1x80x16xf32, #tpu.memory_space<vmem>>
        %dma_start3A_328 = tpu.memref_squeeze %dma_start3A_327 : memref<1x80x16xf32, #tpu.memory_space<vmem>> -> memref<80x16xf32, #tpu.memory_space<vmem>>
        %dma_start3A_329 = arith.constant 0 : i32
        %dma_start3A_330 = tpu.memref_slice %arg9[%rem3A_312, %dma_start3A_329] : memref<4x80xi32, #tpu.memory_space<vmem>> -> memref<1x80xi32, #tpu.memory_space<vmem>>
        %dma_start3A_331 = tpu.memref_squeeze %dma_start3A_330 : memref<1x80xi32, #tpu.memory_space<vmem>> -> memref<80xi32, #tpu.memory_space<vmem>>
        %dma_start3A_332 = arith.constant 0 : i32
        %dma_start3A_333 = arith.constant 0 : i32
        %dma_start3A_334 = tpu.memref_slice %arg5[%dma_start3A_332, %dma_start3A_333] : memref<10000x16xf32, #tpu.memory_space<hbm>> -> memref<10000x16xf32, #tpu.memory_space<hbm>>
        %dma_start3A_335 = tpu.memref_slice %arg13[%rem3A_212] : memref<3x!tpu.dma_semaphore, #tpu.memory_space<semaphore_mem>> -> memref<1x!tpu.dma_semaphore, #tpu.memory_space<semaphore_mem>>
        %dma_start3A_336 = tpu.memref_squeeze %dma_start3A_335 : memref<1x!tpu.dma_semaphore, #tpu.memory_space<semaphore_mem>> -> memref<!tpu.dma_semaphore, #tpu.memory_space<semaphore_mem>>
        tpu.enqueue_indirect_dma source(%dma_start3A_334 : memref<10000x16xf32, #tpu.memory_space<hbm>>) target(%dma_start3A_328 : memref<80x16xf32, #tpu.memory_space<vmem>>) offsets(%dma_start3A_331 : memref<80xi32, #tpu.memory_space<vmem>>) semaphore(%dma_start3A_336 : memref<!tpu.dma_semaphore, #tpu.memory_space<semaphore_mem>>)
      } else {
      }
      %dma_wait3A_220 = arith.constant 0 : i32
      %dma_wait3A_221 = arith.constant 0 : i32
      %dma_wait3A_222 = arith.constant 0 : i32
      %dma_wait3A_223 = tpu.memref_slice %arg11[%rem3A_208, %dma_wait3A_221, %dma_wait3A_222] : memref<3x80x144xf32, #tpu.memory_space<vmem>> -> memref<1x80x144xf32, #tpu.memory_space<vmem>>
      %dma_wait3A_224 = tpu.memref_squeeze %dma_wait3A_223 : memref<1x80x144xf32, #tpu.memory_space<vmem>> -> memref<80x144xf32, #tpu.memory_space<vmem>>
      %dma_wait3A_225 = arith.constant 0 : i32
      %dma_wait3A_226 = tpu.memref_slice %arg8[%dma_wait3A_220, %dma_wait3A_225] : memref<4x80xi32, #tpu.memory_space<vmem>> -> memref<1x80xi32, #tpu.memory_space<vmem>>
      %dma_wait3A_227 = tpu.memref_squeeze %dma_wait3A_226 : memref<1x80xi32, #tpu.memory_space<vmem>> -> memref<80xi32, #tpu.memory_space<vmem>>
      %dma_wait3A_228 = arith.constant 0 : i32
      %dma_wait3A_229 = arith.constant 0 : i32
      %dma_wait3A_230 = tpu.memref_slice %arg4[%dma_wait3A_228, %dma_wait3A_229] : memref<10000x144xf32, #tpu.memory_space<hbm>> -> memref<10000x144xf32, #tpu.memory_space<hbm>>
      %dma_wait3A_231 = tpu.memref_slice %arg13[%rem3A_208] : memref<3x!tpu.dma_semaphore, #tpu.memory_space<semaphore_mem>> -> memref<1x!tpu.dma_semaphore, #tpu.memory_space<semaphore_mem>>
      %dma_wait3A_232 = tpu.memref_squeeze %dma_wait3A_231 : memref<1x!tpu.dma_semaphore, #tpu.memory_space<semaphore_mem>> -> memref<!tpu.dma_semaphore, #tpu.memory_space<semaphore_mem>>
      tpu.wait_indirect_dma semaphore(%dma_wait3A_232 : memref<!tpu.dma_semaphore, #tpu.memory_space<semaphore_mem>>) src(%dma_wait3A_230 : memref<10000x144xf32, #tpu.memory_space<hbm>>) dst(%dma_wait3A_224 : memref<80x144xf32, #tpu.memory_space<vmem>>)
      %dma_wait3A_233 = arith.constant 0 : i32
      %dma_wait3A_234 = arith.constant 0 : i32
      %dma_wait3A_235 = arith.constant 0 : i32
      %dma_wait3A_236 = tpu.memref_slice %arg10[%rem3A_208, %dma_wait3A_234, %dma_wait3A_235] : memref<3x80x16xf32, #tpu.memory_space<vmem>> -> memref<1x80x16xf32, #tpu.memory_space<vmem>>
      %dma_wait3A_237 = tpu.memref_squeeze %dma_wait3A_236 : memref<1x80x16xf32, #tpu.memory_space<vmem>> -> memref<80x16xf32, #tpu.memory_space<vmem>>
      %dma_wait3A_238 = arith.constant 0 : i32
      %dma_wait3A_239 = tpu.memref_slice %arg9[%dma_wait3A_233, %dma_wait3A_238] : memref<4x80xi32, #tpu.memory_space<vmem>> -> memref<1x80xi32, #tpu.memory_space<vmem>>
      %dma_wait3A_240 = tpu.memref_squeeze %dma_wait3A_239 : memref<1x80xi32, #tpu.memory_space<vmem>> -> memref<80xi32, #tpu.memory_space<vmem>>
      %dma_wait3A_241 = arith.constant 0 : i32
      %dma_wait3A_242 = arith.constant 0 : i32
      %dma_wait3A_243 = tpu.memref_slice %arg5[%dma_wait3A_241, %dma_wait3A_242] : memref<10000x16xf32, #tpu.memory_space<hbm>> -> memref<10000x16xf32, #tpu.memory_space<hbm>>
      %dma_wait3A_244 = tpu.memref_slice %arg13[%rem3A_208] : memref<3x!tpu.dma_semaphore, #tpu.memory_space<semaphore_mem>> -> memref<1x!tpu.dma_semaphore, #tpu.memory_space<semaphore_mem>>
      %dma_wait3A_245 = tpu.memref_squeeze %dma_wait3A_244 : memref<1x!tpu.dma_semaphore, #tpu.memory_space<semaphore_mem>> -> memref<!tpu.dma_semaphore, #tpu.memory_space<semaphore_mem>>
      tpu.wait_indirect_dma semaphore(%dma_wait3A_245 : memref<!tpu.dma_semaphore, #tpu.memory_space<semaphore_mem>>) src(%dma_wait3A_243 : memref<10000x16xf32, #tpu.memory_space<hbm>>) dst(%dma_wait3A_237 : memref<80x16xf32, #tpu.memory_space<vmem>>)
      %parallel_loop3A = arith.constant 0 : i32
      %parallel_loop3A_246 = arith.constant 80 : i32
      %parallel_loop3A_247 = arith.constant 1 : i32
      scf.for %parallel_loop3A_262 = %parallel_loop3A to %parallel_loop3A_246 step %parallel_loop3A_247  : i32 {
        %parallel_loop3A_263 = arith.index_cast %rem3A_208 : i32 to index
        %parallel_loop3A_264 = arith.index_cast %parallel_loop3A_262 : i32 to index
        %parallel_loop3A_265 = arith.constant 128 : index
        %parallel_loop3A_266 = tpu.vector_load %arg11[%parallel_loop3A_263, %parallel_loop3A_264, %parallel_loop3A_265] {strides = array<i32>} : memref<3x80x144xf32, #tpu.memory_space<vmem>>, vector<1x1x16xf32>,
        %parallel_loop3A_267 = vector.shape_cast %parallel_loop3A_266 : vector<1x1x16xf32> to vector<16xf32>
        %parallel_loop3A_268 = arith.index_cast %rem3A_208 : i32 to index
        %parallel_loop3A_269 = arith.index_cast %parallel_loop3A_262 : i32 to index
        %parallel_loop3A_270 = arith.constant 0 : index
        %parallel_loop3A_271 = tpu.vector_load %arg10[%parallel_loop3A_268, %parallel_loop3A_269, %parallel_loop3A_270] {strides = array<i32>} : memref<3x80x16xf32, #tpu.memory_space<vmem>>, vector<1x1x16xf32>,
        %parallel_loop3A_272 = vector.shape_cast %parallel_loop3A_271 : vector<1x1x16xf32> to vector<16xf32>
        %parallel_loop3A_273 = arith.addf %parallel_loop3A_267, %parallel_loop3A_272 : vector<16xf32>
        %parallel_loop3A_274 = arith.constant 0.000000e+00 : f32
        %parallel_loop3A_275 = vector.broadcast %parallel_loop3A_274 : f32 to vector<16xf32>
        %parallel_loop3A_276 = arith.cmpf oge, %parallel_loop3A_273, %parallel_loop3A_275 : vector<16xf32>
        %parallel_loop3A_277 = arith.constant 2.000000e-01 : f32
        %parallel_loop3A_278 = vector.broadcast %parallel_loop3A_277 : f32 to vector<16xf32>
        %parallel_loop3A_279 = arith.mulf %parallel_loop3A_278, %parallel_loop3A_273 : vector<16xf32>
        %parallel_loop3A_280 = arith.select %parallel_loop3A_276, %parallel_loop3A_273, %parallel_loop3A_279 : vector<16xi1>, vector<16xf32>
        %parallel_loop3A_281 = math.exp %parallel_loop3A_280 : vector<16xf32>
        %parallel_loop3A_282 = arith.constant 0.000000e+00 : f32
        %parallel_loop3A_283 = vector.broadcast %parallel_loop3A_282 : f32 to vector<16xf32>
        %parallel_loop3A_284 = arith.select %lt3A_11, %parallel_loop3A_281, %parallel_loop3A_283 : vector<16xi1>, vector<16xf32>
        %parallel_loop3A_285 = arith.index_cast %rem3A_208 : i32 to index
        %parallel_loop3A_286 = arith.index_cast %parallel_loop3A_262 : i32 to index
        %parallel_loop3A_287 = arith.constant 128 : index
        %parallel_loop3A_288 = tpu.vector_load %arg11[%parallel_loop3A_285, %parallel_loop3A_286, %parallel_loop3A_287] {strides = array<i32>} : memref<3x80x144xf32, #tpu.memory_space<vmem>>, vector<1x1x16xf32>,
        %parallel_loop3A_289 = vector.shape_cast %parallel_loop3A_288 : vector<1x1x16xf32> to vector<16xf32>
        %parallel_loop3A_290 = vector.shape_cast %parallel_loop3A_284 : vector<16xf32> to vector<1x1x16xf32>
        tpu.vector_store %arg11[%parallel_loop3A_285, %parallel_loop3A_286, %parallel_loop3A_287], %parallel_loop3A_290 {strides = array<i32>} : memref<3x80x144xf32, #tpu.memory_space<vmem>>, vector<1x1x16xf32>,
        %parallel_loop3A_291 = vector.extract_strided_slice %parallel_loop3A_284 {offsets = [0], sizes = [1], strides = [1]} : vector<16xf32> to vector<1xf32>
        %parallel_loop3A_292 = vector.extract %parallel_loop3A_291[0] : f32 from vector<1xf32>
        %parallel_loop3A_293 = arith.index_cast %rem3A_208 : i32 to index
        %parallel_loop3A_294 = arith.index_cast %parallel_loop3A_262 : i32 to index
        %parallel_loop3A_295 = arith.constant 0 : index
        %parallel_loop3A_296 = tpu.vector_load %arg11[%parallel_loop3A_293, %parallel_loop3A_294, %parallel_loop3A_295] {strides = array<i32>} : memref<3x80x144xf32, #tpu.memory_space<vmem>>, vector<1x1x16xf32>,
        %parallel_loop3A_297 = vector.shape_cast %parallel_loop3A_296 : vector<1x1x16xf32> to vector<16xf32>
        %parallel_loop3A_298 = vector.broadcast %parallel_loop3A_292 : f32 to vector<16xf32>
        %parallel_loop3A_299 = arith.mulf %parallel_loop3A_297, %parallel_loop3A_298 : vector<16xf32>
        %parallel_loop3A_300 = arith.index_cast %rem3A_208 : i32 to index
        %parallel_loop3A_301 = arith.index_cast %parallel_loop3A_262 : i32 to index
        %parallel_loop3A_302 = arith.constant 0 : index
        %parallel_loop3A_303 = tpu.vector_load %arg11[%parallel_loop3A_300, %parallel_loop3A_301, %parallel_loop3A_302] {strides = array<i32>} : memref<3x80x144xf32, #tpu.memory_space<vmem>>, vector<1x1x16xf32>,
        %parallel_loop3A_304 = vector.shape_cast %parallel_loop3A_303 : vector<1x1x16xf32> to vector<16xf32>
        %parallel_loop3A_305 = vector.shape_cast %parallel_loop3A_299 : vector<16xf32> to vector<1x1x16xf32>
        tpu.vector_store %arg11[%parallel_loop3A_300, %parallel_loop3A_301, %parallel_loop3A_302], %parallel_loop3A_305 {strides = array<i32>} : memref<3x80x144xf32, #tpu.memory_space<vmem>>, vector<1x1x16xf32>,
        %parallel_loop3A_306 = vector.extract_strided_slice %parallel_loop3A_284 {offsets = [1], sizes = [1], strides = [1]} : vector<16xf32> to vector<1xf32>
        %parallel_loop3A_307 = vector.extract %parallel_loop3A_306[0] : f32 from vector<1xf32>
        %parallel_loop3A_308 = arith.index_cast %rem3A_208 : i32 to index
        %parallel_loop3A_309 = arith.index_cast %parallel_loop3A_262 : i32 to index
        %parallel_loop3A_310 = arith.constant 16 : index
        %parallel_loop3A_311 = tpu.vector_load %arg11[%parallel_loop3A_308, %parallel_loop3A_309, %parallel_loop3A_310] {strides = array<i32>} : memref<3x80x144xf32, #tpu.memory_space<vmem>>, vector<1x1x16xf32>,
        %parallel_loop3A_312 = vector.shape_cast %parallel_loop3A_311 : vector<1x1x16xf32> to vector<16xf32>
        %parallel_loop3A_313 = vector.broadcast %parallel_loop3A_307 : f32 to vector<16xf32>
        %parallel_loop3A_314 = arith.mulf %parallel_loop3A_312, %parallel_loop3A_313 : vector<16xf32>
        %parallel_loop3A_315 = arith.index_cast %rem3A_208 : i32 to index
        %parallel_loop3A_316 = arith.index_cast %parallel_loop3A_262 : i32 to index
        %parallel_loop3A_317 = arith.constant 16 : index
        %parallel_loop3A_318 = tpu.vector_load %arg11[%parallel_loop3A_315, %parallel_loop3A_316, %parallel_loop3A_317] {strides = array<i32>} : memref<3x80x144xf32, #tpu.memory_space<vmem>>, vector<1x1x16xf32>,
        %parallel_loop3A_319 = vector.shape_cast %parallel_loop3A_318 : vector<1x1x16xf32> to vector<16xf32>
        %parallel_loop3A_320 = vector.shape_cast %parallel_loop3A_314 : vector<16xf32> to vector<1x1x16xf32>
        tpu.vector_store %arg11[%parallel_loop3A_315, %parallel_loop3A_316, %parallel_loop3A_317], %parallel_loop3A_320 {strides = array<i32>} : memref<3x80x144xf32, #tpu.memory_space<vmem>>, vector<1x1x16xf32>,
        %parallel_loop3A_321 = vector.extract_strided_slice %parallel_loop3A_284 {offsets = [2], sizes = [1], strides = [1]} : vector<16xf32> to vector<1xf32>
        %parallel_loop3A_322 = vector.extract %parallel_loop3A_321[0] : f32 from vector<1xf32>
        %parallel_loop3A_323 = arith.index_cast %rem3A_208 : i32 to index
        %parallel_loop3A_324 = arith.index_cast %parallel_loop3A_262 : i32 to index
        %parallel_loop3A_325 = arith.constant 32 : index
        %parallel_loop3A_326 = tpu.vector_load %arg11[%parallel_loop3A_323, %parallel_loop3A_324, %parallel_loop3A_325] {strides = array<i32>} : memref<3x80x144xf32, #tpu.memory_space<vmem>>, vector<1x1x16xf32>,
        %parallel_loop3A_327 = vector.shape_cast %parallel_loop3A_326 : vector<1x1x16xf32> to vector<16xf32>
        %parallel_loop3A_328 = vector.broadcast %parallel_loop3A_322 : f32 to vector<16xf32>
        %parallel_loop3A_329 = arith.mulf %parallel_loop3A_327, %parallel_loop3A_328 : vector<16xf32>
        %parallel_loop3A_330 = arith.index_cast %rem3A_208 : i32 to index
        %parallel_loop3A_331 = arith.index_cast %parallel_loop3A_262 : i32 to index
        %parallel_loop3A_332 = arith.constant 32 : index
        %parallel_loop3A_333 = tpu.vector_load %arg11[%parallel_loop3A_330, %parallel_loop3A_331, %parallel_loop3A_332] {strides = array<i32>} : memref<3x80x144xf32, #tpu.memory_space<vmem>>, vector<1x1x16xf32>,
        %parallel_loop3A_334 = vector.shape_cast %parallel_loop3A_333 : vector<1x1x16xf32> to vector<16xf32>
        %parallel_loop3A_335 = vector.shape_cast %parallel_loop3A_329 : vector<16xf32> to vector<1x1x16xf32>
        tpu.vector_store %arg11[%parallel_loop3A_330, %parallel_loop3A_331, %parallel_loop3A_332], %parallel_loop3A_335 {strides = array<i32>} : memref<3x80x144xf32, #tpu.memory_space<vmem>>, vector<1x1x16xf32>,
        %parallel_loop3A_336 = vector.extract_strided_slice %parallel_loop3A_284 {offsets = [3], sizes = [1], strides = [1]} : vector<16xf32> to vector<1xf32>
        %parallel_loop3A_337 = vector.extract %parallel_loop3A_336[0] : f32 from vector<1xf32>
        %parallel_loop3A_338 = arith.index_cast %rem3A_208 : i32 to index
        %parallel_loop3A_339 = arith.index_cast %parallel_loop3A_262 : i32 to index
        %parallel_loop3A_340 = arith.constant 48 : index
        %parallel_loop3A_341 = tpu.vector_load %arg11[%parallel_loop3A_338, %parallel_loop3A_339, %parallel_loop3A_340] {strides = array<i32>} : memref<3x80x144xf32, #tpu.memory_space<vmem>>, vector<1x1x16xf32>,
        %parallel_loop3A_342 = vector.shape_cast %parallel_loop3A_341 : vector<1x1x16xf32> to vector<16xf32>
        %parallel_loop3A_343 = vector.broadcast %parallel_loop3A_337 : f32 to vector<16xf32>
        %parallel_loop3A_344 = arith.mulf %parallel_loop3A_342, %parallel_loop3A_343 : vector<16xf32>
        %parallel_loop3A_345 = arith.index_cast %rem3A_208 : i32 to index
        %parallel_loop3A_346 = arith.index_cast %parallel_loop3A_262 : i32 to index
        %parallel_loop3A_347 = arith.constant 48 : index
        %parallel_loop3A_348 = tpu.vector_load %arg11[%parallel_loop3A_345, %parallel_loop3A_346, %parallel_loop3A_347] {strides = array<i32>} : memref<3x80x144xf32, #tpu.memory_space<vmem>>, vector<1x1x16xf32>,
        %parallel_loop3A_349 = vector.shape_cast %parallel_loop3A_348 : vector<1x1x16xf32> to vector<16xf32>
        %parallel_loop3A_350 = vector.shape_cast %parallel_loop3A_344 : vector<16xf32> to vector<1x1x16xf32>
        tpu.vector_store %arg11[%parallel_loop3A_345, %parallel_loop3A_346, %parallel_loop3A_347], %parallel_loop3A_350 {strides = array<i32>} : memref<3x80x144xf32, #tpu.memory_space<vmem>>, vector<1x1x16xf32>,
        %parallel_loop3A_351 = vector.extract_strided_slice %parallel_loop3A_284 {offsets = [4], sizes = [1], strides = [1]} : vector<16xf32> to vector<1xf32>
        %parallel_loop3A_352 = vector.extract %parallel_loop3A_351[0] : f32 from vector<1xf32>
        %parallel_loop3A_353 = arith.index_cast %rem3A_208 : i32 to index
        %parallel_loop3A_354 = arith.index_cast %parallel_loop3A_262 : i32 to index
        %parallel_loop3A_355 = arith.constant 64 : index
        %parallel_loop3A_356 = tpu.vector_load %arg11[%parallel_loop3A_353, %parallel_loop3A_354, %parallel_loop3A_355] {strides = array<i32>} : memref<3x80x144xf32, #tpu.memory_space<vmem>>, vector<1x1x16xf32>,
        %parallel_loop3A_357 = vector.shape_cast %parallel_loop3A_356 : vector<1x1x16xf32> to vector<16xf32>
        %parallel_loop3A_358 = vector.broadcast %parallel_loop3A_352 : f32 to vector<16xf32>
        %parallel_loop3A_359 = arith.mulf %parallel_loop3A_357, %parallel_loop3A_358 : vector<16xf32>
        %parallel_loop3A_360 = arith.index_cast %rem3A_208 : i32 to index
        %parallel_loop3A_361 = arith.index_cast %parallel_loop3A_262 : i32 to index
        %parallel_loop3A_362 = arith.constant 64 : index
        %parallel_loop3A_363 = tpu.vector_load %arg11[%parallel_loop3A_360, %parallel_loop3A_361, %parallel_loop3A_362] {strides = array<i32>} : memref<3x80x144xf32, #tpu.memory_space<vmem>>, vector<1x1x16xf32>,
        %parallel_loop3A_364 = vector.shape_cast %parallel_loop3A_363 : vector<1x1x16xf32> to vector<16xf32>
        %parallel_loop3A_365 = vector.shape_cast %parallel_loop3A_359 : vector<16xf32> to vector<1x1x16xf32>
        tpu.vector_store %arg11[%parallel_loop3A_360, %parallel_loop3A_361, %parallel_loop3A_362], %parallel_loop3A_365 {strides = array<i32>} : memref<3x80x144xf32, #tpu.memory_space<vmem>>, vector<1x1x16xf32>,
        %parallel_loop3A_366 = vector.extract_strided_slice %parallel_loop3A_284 {offsets = [5], sizes = [1], strides = [1]} : vector<16xf32> to vector<1xf32>
        %parallel_loop3A_367 = vector.extract %parallel_loop3A_366[0] : f32 from vector<1xf32>
        %parallel_loop3A_368 = arith.index_cast %rem3A_208 : i32 to index
        %parallel_loop3A_369 = arith.index_cast %parallel_loop3A_262 : i32 to index
        %parallel_loop3A_370 = arith.constant 80 : index
        %parallel_loop3A_371 = tpu.vector_load %arg11[%parallel_loop3A_368, %parallel_loop3A_369, %parallel_loop3A_370] {strides = array<i32>} : memref<3x80x144xf32, #tpu.memory_space<vmem>>, vector<1x1x16xf32>,
        %parallel_loop3A_372 = vector.shape_cast %parallel_loop3A_371 : vector<1x1x16xf32> to vector<16xf32>
        %parallel_loop3A_373 = vector.broadcast %parallel_loop3A_367 : f32 to vector<16xf32>
        %parallel_loop3A_374 = arith.mulf %parallel_loop3A_372, %parallel_loop3A_373 : vector<16xf32>
        %parallel_loop3A_375 = arith.index_cast %rem3A_208 : i32 to index
        %parallel_loop3A_376 = arith.index_cast %parallel_loop3A_262 : i32 to index
        %parallel_loop3A_377 = arith.constant 80 : index
        %parallel_loop3A_378 = tpu.vector_load %arg11[%parallel_loop3A_375, %parallel_loop3A_376, %parallel_loop3A_377] {strides = array<i32>} : memref<3x80x144xf32, #tpu.memory_space<vmem>>, vector<1x1x16xf32>,
        %parallel_loop3A_379 = vector.shape_cast %parallel_loop3A_378 : vector<1x1x16xf32> to vector<16xf32>
        %parallel_loop3A_380 = vector.shape_cast %parallel_loop3A_374 : vector<16xf32> to vector<1x1x16xf32>
        tpu.vector_store %arg11[%parallel_loop3A_375, %parallel_loop3A_376, %parallel_loop3A_377], %parallel_loop3A_380 {strides = array<i32>} : memref<3x80x144xf32, #tpu.memory_space<vmem>>, vector<1x1x16xf32>,
        %parallel_loop3A_381 = vector.extract_strided_slice %parallel_loop3A_284 {offsets = [6], sizes = [1], strides = [1]} : vector<16xf32> to vector<1xf32>
        %parallel_loop3A_382 = vector.extract %parallel_loop3A_381[0] : f32 from vector<1xf32>
        %parallel_loop3A_383 = arith.index_cast %rem3A_208 : i32 to index
        %parallel_loop3A_384 = arith.index_cast %parallel_loop3A_262 : i32 to index
        %parallel_loop3A_385 = arith.constant 96 : index
        %parallel_loop3A_386 = tpu.vector_load %arg11[%parallel_loop3A_383, %parallel_loop3A_384, %parallel_loop3A_385] {strides = array<i32>} : memref<3x80x144xf32, #tpu.memory_space<vmem>>, vector<1x1x16xf32>,
        %parallel_loop3A_387 = vector.shape_cast %parallel_loop3A_386 : vector<1x1x16xf32> to vector<16xf32>
        %parallel_loop3A_388 = vector.broadcast %parallel_loop3A_382 : f32 to vector<16xf32>
        %parallel_loop3A_389 = arith.mulf %parallel_loop3A_387, %parallel_loop3A_388 : vector<16xf32>
        %parallel_loop3A_390 = arith.index_cast %rem3A_208 : i32 to index
        %parallel_loop3A_391 = arith.index_cast %parallel_loop3A_262 : i32 to index
        %parallel_loop3A_392 = arith.constant 96 : index
        %parallel_loop3A_393 = tpu.vector_load %arg11[%parallel_loop3A_390, %parallel_loop3A_391, %parallel_loop3A_392] {strides = array<i32>} : memref<3x80x144xf32, #tpu.memory_space<vmem>>, vector<1x1x16xf32>,
        %parallel_loop3A_394 = vector.shape_cast %parallel_loop3A_393 : vector<1x1x16xf32> to vector<16xf32>
        %parallel_loop3A_395 = vector.shape_cast %parallel_loop3A_389 : vector<16xf32> to vector<1x1x16xf32>
        tpu.vector_store %arg11[%parallel_loop3A_390, %parallel_loop3A_391, %parallel_loop3A_392], %parallel_loop3A_395 {strides = array<i32>} : memref<3x80x144xf32, #tpu.memory_space<vmem>>, vector<1x1x16xf32>,
        %parallel_loop3A_396 = vector.extract_strided_slice %parallel_loop3A_284 {offsets = [7], sizes = [1], strides = [1]} : vector<16xf32> to vector<1xf32>
        %parallel_loop3A_397 = vector.extract %parallel_loop3A_396[0] : f32 from vector<1xf32>
        %parallel_loop3A_398 = arith.index_cast %rem3A_208 : i32 to index
        %parallel_loop3A_399 = arith.index_cast %parallel_loop3A_262 : i32 to index
        %parallel_loop3A_400 = arith.constant 112 : index
        %parallel_loop3A_401 = tpu.vector_load %arg11[%parallel_loop3A_398, %parallel_loop3A_399, %parallel_loop3A_400] {strides = array<i32>} : memref<3x80x144xf32, #tpu.memory_space<vmem>>, vector<1x1x16xf32>,
        %parallel_loop3A_402 = vector.shape_cast %parallel_loop3A_401 : vector<1x1x16xf32> to vector<16xf32>
        %parallel_loop3A_403 = vector.broadcast %parallel_loop3A_397 : f32 to vector<16xf32>
        %parallel_loop3A_404 = arith.mulf %parallel_loop3A_402, %parallel_loop3A_403 : vector<16xf32>
        %parallel_loop3A_405 = arith.index_cast %rem3A_208 : i32 to index
        %parallel_loop3A_406 = arith.index_cast %parallel_loop3A_262 : i32 to index
        %parallel_loop3A_407 = arith.constant 112 : index
        %parallel_loop3A_408 = tpu.vector_load %arg11[%parallel_loop3A_405, %parallel_loop3A_406, %parallel_loop3A_407] {strides = array<i32>} : memref<3x80x144xf32, #tpu.memory_space<vmem>>, vector<1x1x16xf32>,
        %parallel_loop3A_409 = vector.shape_cast %parallel_loop3A_408 : vector<1x1x16xf32> to vector<16xf32>
        %parallel_loop3A_410 = vector.shape_cast %parallel_loop3A_404 : vector<16xf32> to vector<1x1x16xf32>
        tpu.vector_store %arg11[%parallel_loop3A_405, %parallel_loop3A_406, %parallel_loop3A_407], %parallel_loop3A_410 {strides = array<i32>} : memref<3x80x144xf32, #tpu.memory_space<vmem>>, vector<1x1x16xf32>,
      } {sc.loop_unroll_factor = 8 : i64, sc.parallel_access}
      %rem3A_248 = arith.constant 4 : i32
      %rem3A_249 = arith.remsi %add3A_206, %rem3A_248 : i32
      %dma_start3A_250 = arith.constant 0 : i32
      %dma_start3A_251 = arith.constant 0 : i32
      %dma_start3A_252 = tpu.memref_slice %arg11[%rem3A_208, %dma_start3A_250, %dma_start3A_251] : memref<3x80x144xf32, #tpu.memory_space<vmem>> -> memref<1x80x144xf32, #tpu.memory_space<vmem>>
      %dma_start3A_253 = tpu.memref_squeeze %dma_start3A_252 : memref<1x80x144xf32, #tpu.memory_space<vmem>> -> memref<80x144xf32, #tpu.memory_space<vmem>>
      %dma_start3A_254 = arith.constant 0 : i32
      %dma_start3A_255 = tpu.memref_slice %arg9[%rem3A_249, %dma_start3A_254] : memref<4x80xi32, #tpu.memory_space<vmem>> -> memref<1x80xi32, #tpu.memory_space<vmem>>
      %dma_start3A_256 = tpu.memref_squeeze %dma_start3A_255 : memref<1x80xi32, #tpu.memory_space<vmem>> -> memref<80xi32, #tpu.memory_space<vmem>>
      %dma_start3A_257 = arith.constant 0 : i32
      %dma_start3A_258 = arith.constant 0 : i32
      %dma_start3A_259 = tpu.memref_slice %arg15[%dma_start3A_257, %dma_start3A_258] : memref<10000x144xf32, #tpu.memory_space<vmem_shared>> -> memref<10000x144xf32, #tpu.memory_space<vmem_shared>>
      %dma_start3A_260 = tpu.memref_slice %arg14[%rem3A_208] : memref<3x!tpu.dma_semaphore, #tpu.memory_space<semaphore_mem>> -> memref<1x!tpu.dma_semaphore, #tpu.memory_space<semaphore_mem>>
      %dma_start3A_261 = tpu.memref_squeeze %dma_start3A_260 : memref<1x!tpu.dma_semaphore, #tpu.memory_space<semaphore_mem>> -> memref<!tpu.dma_semaphore, #tpu.memory_space<semaphore_mem>>
      tpu.enqueue_indirect_dma source(%dma_start3A_253 : memref<80x144xf32, #tpu.memory_space<vmem>>) target(%dma_start3A_259 : memref<10000x144xf32, #tpu.memory_space<vmem_shared>>) offsets(%dma_start3A_256 : memref<80xi32, #tpu.memory_space<vmem>>) semaphore(%dma_start3A_261 : memref<!tpu.dma_semaphore, #tpu.memory_space<semaphore_mem>>) {add = true}
    }
    %scan3A_142 = arith.constant 125 : i32
    %rem3A_143 = arith.constant 123 : i32
    %rem3A_144 = arith.constant 3 : i32
    %rem3A_145 = arith.remsi %rem3A_143, %rem3A_144 : i32
    %dma_wait3A_146 = arith.constant 0 : i32
    %dma_wait3A_147 = arith.constant 0 : i32
    %dma_wait3A_148 = arith.constant 0 : i32
    %dma_wait3A_149 = tpu.memref_slice %arg11[%rem3A_145, %dma_wait3A_147, %dma_wait3A_148] : memref<3x80x144xf32, #tpu.memory_space<vmem>> -> memref<1x80x144xf32, #tpu.memory_space<vmem>>
    %dma_wait3A_150 = tpu.memref_squeeze %dma_wait3A_149 : memref<1x80x144xf32, #tpu.memory_space<vmem>> -> memref<80x144xf32, #tpu.memory_space<vmem>>
    %dma_wait3A_151 = arith.constant 0 : i32
    %dma_wait3A_152 = tpu.memref_slice %arg9[%dma_wait3A_146, %dma_wait3A_151] : memref<4x80xi32, #tpu.memory_space<vmem>> -> memref<1x80xi32, #tpu.memory_space<vmem>>
    %dma_wait3A_153 = tpu.memref_squeeze %dma_wait3A_152 : memref<1x80xi32, #tpu.memory_space<vmem>> -> memref<80xi32, #tpu.memory_space<vmem>>
    %dma_wait3A_154 = arith.constant 0 : i32
    %dma_wait3A_155 = arith.constant 0 : i32
    %dma_wait3A_156 = tpu.memref_slice %arg15[%dma_wait3A_154, %dma_wait3A_155] : memref<10000x144xf32, #tpu.memory_space<vmem_shared>> -> memref<10000x144xf32, #tpu.memory_space<vmem_shared>>
    %dma_wait3A_157 = tpu.memref_slice %arg14[%rem3A_145] : memref<3x!tpu.dma_semaphore, #tpu.memory_space<semaphore_mem>> -> memref<1x!tpu.dma_semaphore, #tpu.memory_space<semaphore_mem>>
    %dma_wait3A_158 = tpu.memref_squeeze %dma_wait3A_157 : memref<1x!tpu.dma_semaphore, #tpu.memory_space<semaphore_mem>> -> memref<!tpu.dma_semaphore, #tpu.memory_space<semaphore_mem>>
    tpu.wait_indirect_dma semaphore(%dma_wait3A_158 : memref<!tpu.dma_semaphore, #tpu.memory_space<semaphore_mem>>) src(%dma_wait3A_150 : memref<80x144xf32, #tpu.memory_space<vmem>>) dst(%dma_wait3A_156 : memref<10000x144xf32, #tpu.memory_space<vmem_shared>>)
    %rem3A_159 = arith.constant 124 : i32
    %rem3A_160 = arith.constant 3 : i32
    %rem3A_161 = arith.remsi %rem3A_159, %rem3A_160 : i32
    %dma_wait3A_162 = arith.constant 0 : i32
    %dma_wait3A_163 = arith.constant 0 : i32
    %dma_wait3A_164 = arith.constant 0 : i32
    %dma_wait3A_165 = tpu.memref_slice %arg11[%rem3A_161, %dma_wait3A_163, %dma_wait3A_164] : memref<3x80x144xf32, #tpu.memory_space<vmem>> -> memref<1x80x144xf32, #tpu.memory_space<vmem>>
    %dma_wait3A_166 = tpu.memref_squeeze %dma_wait3A_165 : memref<1x80x144xf32, #tpu.memory_space<vmem>> -> memref<80x144xf32, #tpu.memory_space<vmem>>
    %dma_wait3A_167 = arith.constant 0 : i32
    %dma_wait3A_168 = tpu.memref_slice %arg9[%dma_wait3A_162, %dma_wait3A_167] : memref<4x80xi32, #tpu.memory_space<vmem>> -> memref<1x80xi32, #tpu.memory_space<vmem>>
    %dma_wait3A_169 = tpu.memref_squeeze %dma_wait3A_168 : memref<1x80xi32, #tpu.memory_space<vmem>> -> memref<80xi32, #tpu.memory_space<vmem>>
    %dma_wait3A_170 = arith.constant 0 : i32
    %dma_wait3A_171 = arith.constant 0 : i32
    %dma_wait3A_172 = tpu.memref_slice %arg15[%dma_wait3A_170, %dma_wait3A_171] : memref<10000x144xf32, #tpu.memory_space<vmem_shared>> -> memref<10000x144xf32, #tpu.memory_space<vmem_shared>>
    %dma_wait3A_173 = tpu.memref_slice %arg14[%rem3A_161] : memref<3x!tpu.dma_semaphore, #tpu.memory_space<semaphore_mem>> -> memref<1x!tpu.dma_semaphore, #tpu.memory_space<semaphore_mem>>
    %dma_wait3A_174 = tpu.memref_squeeze %dma_wait3A_173 : memref<1x!tpu.dma_semaphore, #tpu.memory_space<semaphore_mem>> -> memref<!tpu.dma_semaphore, #tpu.memory_space<semaphore_mem>>
    tpu.wait_indirect_dma semaphore(%dma_wait3A_174 : memref<!tpu.dma_semaphore, #tpu.memory_space<semaphore_mem>>) src(%dma_wait3A_166 : memref<80x144xf32, #tpu.memory_space<vmem>>) dst(%dma_wait3A_172 : memref<10000x144xf32, #tpu.memory_space<vmem_shared>>)
    %rem3A_175 = arith.constant 125 : i32
    %rem3A_176 = arith.constant 3 : i32
    %rem3A_177 = arith.remsi %rem3A_175, %rem3A_176 : i32
    %dma_wait3A_178 = arith.constant 0 : i32
    %dma_wait3A_179 = arith.constant 0 : i32
    %dma_wait3A_180 = arith.constant 0 : i32
    %dma_wait3A_181 = tpu.memref_slice %arg11[%rem3A_177, %dma_wait3A_179, %dma_wait3A_180] : memref<3x80x144xf32, #tpu.memory_space<vmem>> -> memref<1x80x144xf32, #tpu.memory_space<vmem>>
    %dma_wait3A_182 = tpu.memref_squeeze %dma_wait3A_181 : memref<1x80x144xf32, #tpu.memory_space<vmem>> -> memref<80x144xf32, #tpu.memory_space<vmem>>
    %dma_wait3A_183 = arith.constant 0 : i32
    %dma_wait3A_184 = tpu.memref_slice %arg9[%dma_wait3A_178, %dma_wait3A_183] : memref<4x80xi32, #tpu.memory_space<vmem>> -> memref<1x80xi32, #tpu.memory_space<vmem>>
    %dma_wait3A_185 = tpu.memref_squeeze %dma_wait3A_184 : memref<1x80xi32, #tpu.memory_space<vmem>> -> memref<80xi32, #tpu.memory_space<vmem>>
    %dma_wait3A_186 = arith.constant 0 : i32
    %dma_wait3A_187 = arith.constant 0 : i32
    %dma_wait3A_188 = tpu.memref_slice %arg15[%dma_wait3A_186, %dma_wait3A_187] : memref<10000x144xf32, #tpu.memory_space<vmem_shared>> -> memref<10000x144xf32, #tpu.memory_space<vmem_shared>>
    %dma_wait3A_189 = tpu.memref_slice %arg14[%rem3A_177] : memref<3x!tpu.dma_semaphore, #tpu.memory_space<semaphore_mem>> -> memref<1x!tpu.dma_semaphore, #tpu.memory_space<semaphore_mem>>
    %dma_wait3A_190 = tpu.memref_squeeze %dma_wait3A_189 : memref<1x!tpu.dma_semaphore, #tpu.memory_space<semaphore_mem>> -> memref<!tpu.dma_semaphore, #tpu.memory_space<semaphore_mem>>
    tpu.wait_indirect_dma semaphore(%dma_wait3A_190 : memref<!tpu.dma_semaphore, #tpu.memory_space<semaphore_mem>>) src(%dma_wait3A_182 : memref<80x144xf32, #tpu.memory_space<vmem>>) dst(%dma_wait3A_188 : memref<10000x144xf32, #tpu.memory_space<vmem_shared>>)
    %barrier3A_191 = arith.constant 0 : index
    tpu.barrier barrier_id(%barrier3A_191)
    %lt3A_192 = arith.constant 15 : i32
    %lt3A_193 = arith.cmpi slt, %arg1, %lt3A_192 : i32
    %convert_element_type3A_194 = arith.extui %lt3A_193 : i1 to i32
    %cond3A_195 = arith.constant 0 : i32
    %cond3A_196 = arith.cmpi ne, %convert_element_type3A_194, %cond3A_195 : i32
    scf.if %cond3A_196 {
      "tpu.region"() ({
        %run_scoped3A = tpu.sem_alloc : memref<!tpu.dma_semaphore, #tpu.memory_space<semaphore_mem>>
        %dma_start3A_202 = arith.constant 0 : i32
        %dma_start3A_203 = tpu.memref_slice %arg7[%arg0, %mul3A_2, %dma_start3A_202] : memref<2x10000x144xf32, #tpu.memory_space<hbm>> -> memref<1x632x144xf32, #tpu.memory_space<hbm>>
        %dma_start3A_204 = tpu.memref_squeeze %dma_start3A_203 : memref<1x632x144xf32, #tpu.memory_space<hbm>> -> memref<632x144xf32, #tpu.memory_space<hbm>>
        %dma_start3A_205 = arith.constant 0 : i32
        %dma_start3A_206 = tpu.memref_slice %arg15[%mul3A_2, %dma_start3A_205] : memref<10000x144xf32, #tpu.memory_space<vmem_shared>> -> memref<632x144xf32, #tpu.memory_space<vmem_shared>>
        tpu.enqueue_dma source(%dma_start3A_206 : memref<632x144xf32, #tpu.memory_space<vmem_shared>>) target(%dma_start3A_204 : memref<632x144xf32, #tpu.memory_space<hbm>>) target_semaphore(%run_scoped3A : memref<!tpu.dma_semaphore, #tpu.memory_space<semaphore_mem>>)
        %dma_wait3A_207 = arith.constant 0 : i32
        %dma_wait3A_208 = tpu.memref_slice %arg7[%arg0, %mul3A_2, %dma_wait3A_207] : memref<2x10000x144xf32, #tpu.memory_space<hbm>> -> memref<1x632x144xf32, #tpu.memory_space<hbm>>
        %dma_wait3A_209 = tpu.memref_squeeze %dma_wait3A_208 : memref<1x632x144xf32, #tpu.memory_space<hbm>> -> memref<632x144xf32, #tpu.memory_space<hbm>>
        %dma_wait3A_210 = arith.constant 0 : i32
        %dma_wait3A_211 = tpu.memref_slice %arg15[%mul3A_2, %dma_wait3A_210] : memref<10000x144xf32, #tpu.memory_space<vmem_shared>> -> memref<632x144xf32, #tpu.memory_space<vmem_shared>>
        tpu.wait_dma2 semaphore(%run_scoped3A : memref<!tpu.dma_semaphore, #tpu.memory_space<semaphore_mem>>) src(%dma_wait3A_211 : memref<632x144xf32, #tpu.memory_space<vmem_shared>>) dst(%dma_wait3A_209 : memref<632x144xf32, #tpu.memory_space<hbm>>)
        tpu.yield
      }) : () -> ()
    } else {
    }
    %eq3A_197 = arith.constant 15 : i32
    %eq3A_198 = arith.cmpi eq, %arg1, %eq3A_197 : i32
    %convert_element_type3A_199 = arith.extui %eq3A_198 : i1 to i32
    %cond3A_200 = arith.constant 0 : i32
    %cond3A_201 = arith.cmpi ne, %convert_element_type3A_199, %cond3A_200 : i32
    scf.if %cond3A_201 {
      "tpu.region"() ({
        %run_scoped3A = tpu.sem_alloc : memref<!tpu.dma_semaphore, #tpu.memory_space<semaphore_mem>>
        %dma_start3A_202 = arith.constant 0 : i32
        %dma_start3A_203 = tpu.memref_slice %arg7[%arg0, %mul3A_2, %dma_start3A_202] : memref<2x10000x144xf32, #tpu.memory_space<hbm>> -> memref<1x520x144xf32, #tpu.memory_space<hbm>>
        %dma_start3A_204 = tpu.memref_squeeze %dma_start3A_203 : memref<1x520x144xf32, #tpu.memory_space<hbm>> -> memref<520x144xf32, #tpu.memory_space<hbm>>
        %dma_start3A_205 = arith.constant 0 : i32
        %dma_start3A_206 = tpu.memref_slice %arg15[%mul3A_2, %dma_start3A_205] : memref<10000x144xf32, #tpu.memory_space<vmem_shared>> -> memref<520x144xf32, #tpu.memory_space<vmem_shared>>
        tpu.enqueue_dma source(%dma_start3A_206 : memref<520x144xf32, #tpu.memory_space<vmem_shared>>) target(%dma_start3A_204 : memref<520x144xf32, #tpu.memory_space<hbm>>) target_semaphore(%run_scoped3A : memref<!tpu.dma_semaphore, #tpu.memory_space<semaphore_mem>>)
        %dma_wait3A_207 = arith.constant 0 : i32
        %dma_wait3A_208 = tpu.memref_slice %arg7[%arg0, %mul3A_2, %dma_wait3A_207] : memref<2x10000x144xf32, #tpu.memory_space<hbm>> -> memref<1x520x144xf32, #tpu.memory_space<hbm>>
        %dma_wait3A_209 = tpu.memref_squeeze %dma_wait3A_208 : memref<1x520x144xf32, #tpu.memory_space<hbm>> -> memref<520x144xf32, #tpu.memory_space<hbm>>
        %dma_wait3A_210 = arith.constant 0 : i32
        %dma_wait3A_211 = tpu.memref_slice %arg15[%mul3A_2, %dma_wait3A_210] : memref<10000x144xf32, #tpu.memory_space<vmem_shared>> -> memref<520x144xf32, #tpu.memory_space<vmem_shared>>
        tpu.wait_dma2 semaphore(%run_scoped3A : memref<!tpu.dma_semaphore, #tpu.memory_space<semaphore_mem>>) src(%dma_wait3A_211 : memref<520x144xf32, #tpu.memory_space<vmem_shared>>) dst(%dma_wait3A_209 : memref<520x144xf32, #tpu.memory_space<hbm>>)
        tpu.yield
      }) : () -> ()
    } else {
    }
    return
  }
}

module attributes {stable_mosaic.version = 14 : i64} {
  func.func @_proj_body(%arg0: i32, %arg1: memref<1000x128xf32, #tpu.memory_space<vmem>>, %arg2: memref<128x128xf32, #tpu.memory_space<vmem>>, %arg3: memref<128x1xf32, #tpu.memory_space<vmem>>, %arg4: memref<128x1xf32, #tpu.memory_space<vmem>>, %arg5: memref<1000x144xf32, #tpu.memory_space<vmem>>, %arg6: memref<1000x16xf32, #tpu.memory_space<vmem>>) attributes {dimension_semantics = [#tpu.dimension_semantics<arbitrary>], iteration_bounds = array<i64: 10>, scalar_prefetch = 0 : i64, scratch_operands = 0 : i64, tpu.core_type = #tpu.core_type<tc>, window_params = [{transform_indices = @transform_0, window_bounds = array<i64: 1000, 128>}, {pipeline_mode = #tpu.pipeline_mode<synchronous>, transform_indices = @transform_1, window_bounds = array<i64: 128, 128>}, {pipeline_mode = #tpu.pipeline_mode<synchronous>, transform_indices = @transform_2, window_bounds = array<i64: 128, 1>}, {pipeline_mode = #tpu.pipeline_mode<synchronous>, transform_indices = @transform_3, window_bounds = array<i64: 128, 1>}, {transform_indices = @transform_4, window_bounds = array<i64: 1000, 144>}, {transform_indices = @transform_5, window_bounds = array<i64: 1000, 16>}]} {
    %get3A = arith.constant 0 : index
    %get3A_0 = arith.constant 0 : index
    %get3A_1 = vector.load %arg1[%get3A, %get3A_0] : memref<1000x128xf32, #tpu.memory_space<vmem>>, vector<1000x128xf32>
    %get3A_2 = arith.constant 0 : index
    %get3A_3 = arith.constant 0 : index
    %get3A_4 = vector.load %arg2[%get3A_2, %get3A_3] : memref<128x128xf32, #tpu.memory_space<vmem>>, vector<128x128xf32>
    %dot_general3A = arith.constant dense<0.000000e+00> : vector<1000x128xf32>
    %dot_general3A_5 = tpu.matmul %get3A_1, %get3A_4, %dot_general3A {dimension_numbers = #tpu.dot_dimension_numbers<[1], [0], [0], [1], [0, 0, 1, 1], [], []>, transpose_lhs_hint = false} : vector<1000x128xf32>, vector<128x128xf32>, vector<1000x128xf32> -> vector<1000x128xf32>
    %iota3A = tpu.iota {dimensions = array<i32: 0>} : vector<128x8xi32>
    %jit3A = arith.constant 16 : i32
    %div3A = vector.broadcast %jit3A : i32 to vector<128x8xi32>
    %div3A_6 = arith.divsi %iota3A, %div3A : vector<128x8xi32>
    %sign3A = arith.constant 0 : i32
    %sign3A_7 = vector.broadcast %sign3A : i32 to vector<128x8xi32>
    %sign3A_8 = arith.cmpi sgt, %iota3A, %sign3A_7 : vector<128x8xi32>
    %sign3A_9 = arith.extui %sign3A_8 : vector<128x8xi1> to vector<128x8xi32>
    %sign3A_10 = arith.constant 0 : i32
    %sign3A_11 = vector.broadcast %sign3A_10 : i32 to vector<128x8xi32>
    %sign3A_12 = arith.cmpi slt, %iota3A, %sign3A_11 : vector<128x8xi32>
    %sign3A_13 = arith.extui %sign3A_12 : vector<128x8xi1> to vector<128x8xi32>
    %sign3A_14 = arith.subi %sign3A_9, %sign3A_13 : vector<128x8xi32>
    %sign3A_15 = arith.constant 0 : i32
    %sign3A_16 = arith.cmpi sgt, %jit3A, %sign3A_15 : i32
    %sign3A_17 = arith.extui %sign3A_16 : i1 to i32
    %sign3A_18 = arith.constant 0 : i32
    %sign3A_19 = arith.cmpi slt, %jit3A, %sign3A_18 : i32
    %sign3A_20 = arith.extui %sign3A_19 : i1 to i32
    %sign3A_21 = arith.subi %sign3A_17, %sign3A_20 : i32
    %ne3A = vector.broadcast %sign3A_21 : i32 to vector<128x8xi32>
    %ne3A_22 = arith.cmpi ne, %sign3A_14, %ne3A : vector<128x8xi32>
    %rem3A = vector.broadcast %jit3A : i32 to vector<128x8xi32>
    %rem3A_23 = arith.remsi %iota3A, %rem3A : vector<128x8xi32>
    %ne3A_24 = arith.constant 0 : i32
    %ne3A_25 = vector.broadcast %ne3A_24 : i32 to vector<128x8xi32>
    %ne3A_26 = arith.cmpi ne, %rem3A_23, %ne3A_25 : vector<128x8xi32>
    %and3A = arith.andi %ne3A_22, %ne3A_26 : vector<128x8xi1>
    %sub3A = arith.constant 1 : i32
    %sub3A_27 = vector.broadcast %sub3A : i32 to vector<128x8xi32>
    %sub3A_28 = arith.subi %div3A_6, %sub3A_27 : vector<128x8xi32>
    %select_n3A = arith.select %and3A, %sub3A_28, %div3A_6 : vector<128x8xi1>, vector<128x8xi32>
    %iota3A_29 = tpu.iota {dimensions = array<i32: 1>} : vector<128x8xi32>
    %eq3A = arith.cmpi eq, %select_n3A, %iota3A_29 : vector<128x8xi32>
    %jit3A_30 = arith.constant 1.000000e+00 : f32
    %jit3A_31 = arith.constant 0.000000e+00 : f32
    %broadcast_in_dim3A = vector.broadcast %jit3A_30 : f32 to vector<128x8xf32>
    %broadcast_in_dim3A_32 = vector.broadcast %jit3A_31 : f32 to vector<128x8xf32>
    %select_n3A_33 = arith.select %eq3A, %broadcast_in_dim3A, %broadcast_in_dim3A_32 : vector<128x8xi1>, vector<128x8xf32>
    %get3A_34 = arith.constant 0 : index
    %get3A_35 = arith.constant 0 : index
    %get3A_36 = vector.load %arg3[%get3A_34, %get3A_35] : memref<128x1xf32, #tpu.memory_space<vmem>>, vector<128x1xf32>
    %mul3A = vector.broadcast %get3A_36 : vector<128x1xf32> to vector<128x8xf32>
    %mul3A_37 = arith.mulf %select_n3A_33, %mul3A : vector<128x8xf32>
    %get3A_38 = arith.constant 0 : index
    %get3A_39 = arith.constant 0 : index
    %get3A_40 = vector.load %arg4[%get3A_38, %get3A_39] : memref<128x1xf32, #tpu.memory_space<vmem>>, vector<128x1xf32>
    %mul3A_41 = vector.broadcast %get3A_40 : vector<128x1xf32> to vector<128x8xf32>
    %mul3A_42 = arith.mulf %select_n3A_33, %mul3A_41 : vector<128x8xf32>
    %concatenate3A = tpu.concatenate %mul3A_37, %mul3A_42 in 1 : vector<128x8xf32>, vector<128x8xf32> -> vector<128x16xf32>
    %concatenate3A_43 = tpu.concatenate %mul3A_42, %mul3A_37 in 1 : vector<128x8xf32>, vector<128x8xf32> -> vector<128x16xf32>
    %dot_general3A_44 = arith.constant dense<0.000000e+00> : vector<1000x16xf32>
    %dot_general3A_45 = tpu.matmul %dot_general3A_5, %concatenate3A, %dot_general3A_44 {dimension_numbers = #tpu.dot_dimension_numbers<[1], [0], [0], [1], [0, 0, 1, 1], [], []>, transpose_lhs_hint = false} : vector<1000x128xf32>, vector<128x16xf32>, vector<1000x16xf32> -> vector<1000x16xf32>
    %concatenate3A_46 = tpu.concatenate %dot_general3A_5, %dot_general3A_45 in 1 : vector<1000x128xf32>, vector<1000x16xf32> -> vector<1000x144xf32>
    %swap3A = arith.constant 0 : index
    %swap3A_47 = arith.constant 0 : index
    %swap3A_48 = vector.load %arg5[%swap3A, %swap3A_47] : memref<1000x144xf32, #tpu.memory_space<vmem>>, vector<1000x144xf32>
    tpu.vector_store %arg5[%swap3A, %swap3A_47], %concatenate3A_46 {strides = array<i32>} : memref<1000x144xf32, #tpu.memory_space<vmem>>, vector<1000x144xf32>,
    %dot_general3A_49 = arith.constant dense<0.000000e+00> : vector<1000x16xf32>
    %dot_general3A_50 = tpu.matmul %dot_general3A_5, %concatenate3A_43, %dot_general3A_49 {dimension_numbers = #tpu.dot_dimension_numbers<[1], [0], [0], [1], [0, 0, 1, 1], [], []>, transpose_lhs_hint = false} : vector<1000x128xf32>, vector<128x16xf32>, vector<1000x16xf32> -> vector<1000x16xf32>
    %swap3A_51 = arith.constant 0 : index
    %swap3A_52 = arith.constant 0 : index
    %swap3A_53 = vector.load %arg6[%swap3A_51, %swap3A_52] : memref<1000x16xf32, #tpu.memory_space<vmem>>, vector<1000x16xf32>
    tpu.vector_store %arg6[%swap3A_51, %swap3A_52], %dot_general3A_50 {strides = array<i32>} : memref<1000x16xf32, #tpu.memory_space<vmem>>, vector<1000x16xf32>,
    return
  }
  func.func @transform_0(%arg0: i32) -> (i32, i32) {
    %c0_i32 = arith.constant 0 : i32
    %c0_i32_0 = arith.constant 0 : i32
    return %arg0, %c0_i32 : i32, i32
  }
  func.func @transform_1(%arg0: i32) -> (i32, i32) {
    %c0_i32 = arith.constant 0 : i32
    %c0_i32_0 = arith.constant 0 : i32
    %c0_i32_1 = arith.constant 0 : i32
    return %c0_i32, %c0_i32_0 : i32, i32
  }
  func.func @transform_2(%arg0: i32) -> (i32, i32) {
    %c0_i32 = arith.constant 0 : i32
    %c0_i32_0 = arith.constant 0 : i32
    %c0_i32_1 = arith.constant 0 : i32
    return %c0_i32, %c0_i32_0 : i32, i32
  }
  func.func @transform_3(%arg0: i32) -> (i32, i32) {
    %c0_i32 = arith.constant 0 : i32
    %c0_i32_0 = arith.constant 0 : i32
    %c0_i32_1 = arith.constant 0 : i32
    return %c0_i32, %c0_i32_0 : i32, i32
  }
  func.func @transform_4(%arg0: i32) -> (i32, i32) {
    %c0_i32 = arith.constant 0 : i32
    %c0_i32_0 = arith.constant 0 : i32
    return %arg0, %c0_i32 : i32, i32
  }
  func.func @transform_5(%arg0: i32) -> (i32, i32) {
    %c0_i32 = arith.constant 0 : i32
    %c0_i32_0 = arith.constant 0 : i32
    return %arg0, %c0_i32 : i32, i32
  }
}

module attributes {stable_mosaic.version = 14 : i64} {
  func.func @_combine_body(%arg0: i32, %arg1: memref<2x1000x144xf32, #tpu.memory_space<vmem>>, %arg2: memref<1x128xf32, #tpu.memory_space<vmem>>, %arg3: memref<1000x128xf32, #tpu.memory_space<vmem>>) attributes {dimension_semantics = [#tpu.dimension_semantics<arbitrary>], iteration_bounds = array<i64: 10>, scalar_prefetch = 0 : i64, scratch_operands = 0 : i64, tpu.core_type = #tpu.core_type<tc>, window_params = [{transform_indices = @transform_0, window_bounds = array<i64: 2, 1000, 144>}, {pipeline_mode = #tpu.pipeline_mode<synchronous>, transform_indices = @transform_1, window_bounds = array<i64: 1, 128>}, {transform_indices = @transform_2, window_bounds = array<i64: 1000, 128>}]} {
    %get3A = arith.constant 0 : index
    %get3A_0 = arith.constant 0 : index
    %get3A_1 = arith.constant 0 : index
    %get3A_2 = vector.load %arg1[%get3A, %get3A_0, %get3A_1] : memref<2x1000x144xf32, #tpu.memory_space<vmem>>, vector<1x1000x144xf32>
    %get3A_3 = vector.shape_cast %get3A_2 : vector<1x1000x144xf32> to vector<1000x144xf32>
    %get3A_4 = arith.constant 1 : index
    %get3A_5 = arith.constant 0 : index
    %get3A_6 = arith.constant 0 : index
    %get3A_7 = vector.load %arg1[%get3A_4, %get3A_5, %get3A_6] : memref<2x1000x144xf32, #tpu.memory_space<vmem>>, vector<1x1000x144xf32>
    %get3A_8 = vector.shape_cast %get3A_7 : vector<1x1000x144xf32> to vector<1000x144xf32>
    %add3A = arith.addf %get3A_3, %get3A_8 : vector<1000x144xf32>
    %slice3A = vector.extract_strided_slice %add3A {offsets = [0, 128], sizes = [1000, 16], strides = [1, 1]} : vector<1000x144xf32> to vector<1000x16xf32>
    %iota3A = tpu.iota {dimensions = array<i32: 1>} : vector<1000x16xi32>
    %ge3A = arith.constant 8 : i32
    %ge3A_9 = vector.broadcast %ge3A : i32 to vector<1000x16xi32>
    %ge3A_10 = arith.cmpi sge, %iota3A, %ge3A_9 : vector<1000x16xi32>
    %jit3A = arith.constant 1.000000e+00 : f32
    %jit3A_11 = arith.constant 0.000000e+00 : f32
    %broadcast_in_dim3A = vector.broadcast %jit3A : f32 to vector<1000x16xf32>
    %broadcast_in_dim3A_12 = vector.broadcast %jit3A_11 : f32 to vector<1000x16xf32>
    %select_n3A = arith.select %ge3A_10, %broadcast_in_dim3A, %broadcast_in_dim3A_12 : vector<1000x16xi1>, vector<1000x16xf32>
    %add3A_13 = arith.addf %slice3A, %select_n3A : vector<1000x16xf32>
    %add3A_14 = arith.constant 1.000000e-16 : f32
    %add3A_15 = vector.broadcast %add3A_14 : f32 to vector<1000x16xf32>
    %add3A_16 = arith.addf %add3A_13, %add3A_15 : vector<1000x16xf32>
    %div3A = arith.constant 1.000000e+00 : f32
    %div3A_17 = vector.broadcast %div3A : f32 to vector<1000x16xf32>
    %div3A_18 = arith.divf %div3A_17, %add3A_16 : vector<1000x16xf32>
    %iota3A_19 = tpu.iota {dimensions = array<i32: 0>} : vector<16x128xi32>
    %iota3A_20 = tpu.iota {dimensions = array<i32: 1>} : vector<16x128xi32>
    %jit3A_21 = arith.constant 16 : i32
    %div3A_22 = vector.broadcast %jit3A_21 : i32 to vector<16x128xi32>
    %div3A_23 = arith.divsi %iota3A_20, %div3A_22 : vector<16x128xi32>
    %sign3A = arith.constant 0 : i32
    %sign3A_24 = vector.broadcast %sign3A : i32 to vector<16x128xi32>
    %sign3A_25 = arith.cmpi sgt, %iota3A_20, %sign3A_24 : vector<16x128xi32>
    %sign3A_26 = arith.extui %sign3A_25 : vector<16x128xi1> to vector<16x128xi32>
    %sign3A_27 = arith.constant 0 : i32
    %sign3A_28 = vector.broadcast %sign3A_27 : i32 to vector<16x128xi32>
    %sign3A_29 = arith.cmpi slt, %iota3A_20, %sign3A_28 : vector<16x128xi32>
    %sign3A_30 = arith.extui %sign3A_29 : vector<16x128xi1> to vector<16x128xi32>
    %sign3A_31 = arith.subi %sign3A_26, %sign3A_30 : vector<16x128xi32>
    %sign3A_32 = arith.constant 0 : i32
    %sign3A_33 = arith.cmpi sgt, %jit3A_21, %sign3A_32 : i32
    %sign3A_34 = arith.extui %sign3A_33 : i1 to i32
    %sign3A_35 = arith.constant 0 : i32
    %sign3A_36 = arith.cmpi slt, %jit3A_21, %sign3A_35 : i32
    %sign3A_37 = arith.extui %sign3A_36 : i1 to i32
    %sign3A_38 = arith.subi %sign3A_34, %sign3A_37 : i32
    %ne3A = vector.broadcast %sign3A_38 : i32 to vector<16x128xi32>
    %ne3A_39 = arith.cmpi ne, %sign3A_31, %ne3A : vector<16x128xi32>
    %rem3A = vector.broadcast %jit3A_21 : i32 to vector<16x128xi32>
    %rem3A_40 = arith.remsi %iota3A_20, %rem3A : vector<16x128xi32>
    %ne3A_41 = arith.constant 0 : i32
    %ne3A_42 = vector.broadcast %ne3A_41 : i32 to vector<16x128xi32>
    %ne3A_43 = arith.cmpi ne, %rem3A_40, %ne3A_42 : vector<16x128xi32>
    %and3A = arith.andi %ne3A_39, %ne3A_43 : vector<16x128xi1>
    %sub3A = arith.constant 1 : i32
    %sub3A_44 = vector.broadcast %sub3A : i32 to vector<16x128xi32>
    %sub3A_45 = arith.subi %div3A_23, %sub3A_44 : vector<16x128xi32>
    %select_n3A_46 = arith.select %and3A, %sub3A_45, %div3A_23 : vector<16x128xi1>, vector<16x128xi32>
    %eq3A = arith.cmpi eq, %iota3A_19, %select_n3A_46 : vector<16x128xi32>
    %jit3A_47 = arith.constant 1.000000e+00 : f32
    %jit3A_48 = arith.constant 0.000000e+00 : f32
    %broadcast_in_dim3A_49 = vector.broadcast %jit3A_47 : f32 to vector<16x128xf32>
    %broadcast_in_dim3A_50 = vector.broadcast %jit3A_48 : f32 to vector<16x128xf32>
    %select_n3A_51 = arith.select %eq3A, %broadcast_in_dim3A_49, %broadcast_in_dim3A_50 : vector<16x128xi1>, vector<16x128xf32>
    %dot_general3A = arith.constant dense<0.000000e+00> : vector<1000x128xf32>
    %dot_general3A_52 = tpu.matmul %div3A_18, %select_n3A_51, %dot_general3A {dimension_numbers = #tpu.dot_dimension_numbers<[1], [0], [0], [1], [0, 0, 1, 1], [], []>, transpose_lhs_hint = false} : vector<1000x16xf32>, vector<16x128xf32>, vector<1000x128xf32> -> vector<1000x128xf32>
    %slice3A_53 = vector.extract_strided_slice %add3A {offsets = [0, 0], sizes = [1000, 128], strides = [1, 1]} : vector<1000x144xf32> to vector<1000x128xf32>
    %mul3A = arith.mulf %slice3A_53, %dot_general3A_52 : vector<1000x128xf32>
    %get3A_54 = arith.constant 0 : index
    %get3A_55 = arith.constant 0 : index
    %get3A_56 = vector.load %arg2[%get3A_54, %get3A_55] : memref<1x128xf32, #tpu.memory_space<vmem>>, vector<1x128xf32>
    %add3A_57 = vector.broadcast %get3A_56 : vector<1x128xf32> to vector<1000x128xf32>
    %add3A_58 = arith.addf %mul3A, %add3A_57 : vector<1000x128xf32>
    %swap3A = arith.constant 0 : index
    %swap3A_59 = arith.constant 0 : index
    %swap3A_60 = vector.load %arg3[%swap3A, %swap3A_59] : memref<1000x128xf32, #tpu.memory_space<vmem>>, vector<1000x128xf32>
    tpu.vector_store %arg3[%swap3A, %swap3A_59], %add3A_58 {strides = array<i32>} : memref<1000x128xf32, #tpu.memory_space<vmem>>, vector<1000x128xf32>,
    return
  }
  func.func @transform_0(%arg0: i32) -> (i32, i32, i32) {
    %c0_i32 = arith.constant 0 : i32
    %c0_i32_0 = arith.constant 0 : i32
    %c0_i32_1 = arith.constant 0 : i32
    return %c0_i32, %arg0, %c0_i32_0 : i32, i32, i32
  }
  func.func @transform_1(%arg0: i32) -> (i32, i32) {
    %c0_i32 = arith.constant 0 : i32
    %c0_i32_0 = arith.constant 0 : i32
    %c0_i32_1 = arith.constant 0 : i32
    return %c0_i32, %c0_i32_0 : i32, i32
  }
  func.func @transform_2(%arg0: i32) -> (i32, i32) {
    %c0_i32 = arith.constant 0 : i32
    %c0_i32_0 = arith.constant 0 : i32
    return %arg0, %c0_i32 : i32, i32
  }
}

</mosaic_0001>

<sc_bundles>
// kernel: kernel.5.cloned.1.call-start
scs
__scs_entry_jumppad:
0x0: {  	(pc) =	sbr.rel $0x88, $3  }
0x1: {  	(tag) =	ssettag $0x0;
	lr =	simm.s32 $0x1  }
0x2: {  	[smem:$0x3F9B] =	sst lr;
	_ =	strace $0xD0000000  }
0x3: {  	_ = 	snop  }
0x4: {  	_ = 	snop  }
0x5: {  	_ = 	snop  }
0x6: {  	_ = 	snop  }
0x7: {  	_ = 	snop  }
__scs_overlays_trampoline_lowered:
0x8: {  	[smem:$0x3FAA] =	sst s0  }
0x9: {  	[smem:$0x3FAB] =	sst s1  }
0xa: {  	[smem:$0x3FAC] =	sst s2  }
0xb: {  	[smem:$0x3FAD] =	sst s3  }
0xc: {  	[smem:$0x3FAE] =	sst s4  }
0xd: {  	[smem:$0x3FAF] =	sst s5  }
0xe: {  	[smem:$0x3FB0] =	sst s6  }
0xf: {  	[smem:$0x3FB1] =	sst s7  }
0x10: {  	[smem:$0x3FB2] =	sst s8  }
0x11: {  	[smem:$0x3FB3] =	sst s9;
	s0 =	simm.s32 @!p0 $0x0  }
0x12: {  	s1 =	sld [smem:$0x3F99];
	s0 =	simm.s32 @p0 $0x1  }
0x13: {  	[smem:$0x3FB4] =	sst s0;
	s0 =	simm.s32 @!p1 $0x0  }
0x14: {  	s2 =	sld [smem:$0x3F98];
	s0 =	simm.s32 @p1 $0x1  }
0x15: {  	[smem:$0x3FB5] =	sst s0;
	s0 =	simm.s32 @!p2 $0x0  }
0x16: {  	s3 =	sld [smem:$0x3FDB];
	s0 =	simm.s32 @p2 $0x1  }
0x17: {  	s4 =	simm.s32 $0x1BF5;
	[smem:$0x3FB7] =	sst s0  }
0x18: {  	s0 =	sld [smem:$0x3F9A];
	_ =	swait.ge [sflag:s4], $0x0  }
0x19: {  	s7 =	sld [smem:$0x3F9B]  }
0x1a: {  	s8 =	sadd.s32 $0xFFFFE003, lr  }
0x1b: {  	s9 =	sadd.s32 $0xFFFFFEF7, lr;
	s5 =	simm.s32 $0xFFFFFFFF;
	p2 =	slt.u32 s8, $0xFFFFF086  }
0x1c: {  	p1 =	slt.u32 s9, $0xF7A;
	s5 =	simm.s32 @!p2 $0x0  }
0x1d: {  	s5 =	simm.s32 @p1 $0x1;
	p0 =	seq.s32 s7, s2  }
0x1e: {  	s7 =	smul.u32 @!p0 $0xF7A, s2;
	p2 =	seq.s32 @!p0 s5, $0x0  }
0x1f: {  	s9 =	smul.u32 $0xF7A, s1;
	s8 =	simm.s32 @!p0 $0x1BF5;
	p2 =	por !p2, p0  }
0x20: {  	[sflag:s8] =	ssyncset.s32 @!p0 $0xFFFFF086;
	s6 =	sadd.s32 @!p0 s3, s7;
	s7 =	simm.s32 @!p0 $0x108  }
0x21: {  	s3 =	sadd.s32 s3, s9;
	s6 =	sadd.s32 @!p0 $0x88, s6;
	s7 =	simm.s32 @p2 $0x1082  }
0x22: {  	[simem:s7], [sflag:s8] =	dma.local @!p0 [hbm:s6], $0xF7A  }
0x23: {  	s9 =	sor.u32 $0xD0000000, s2;
	s6 =	simm.s32 $0x108;
	_ =	swait.ge @!p0 [sflag:s8], $0x0  }
0x24: {  	s3 =	sadd.s32 $0x88, s3;
	s6 =	simm.s32 @!p1 $0x1082;
	[sflag:s4] =	ssyncset.s32 $0xFFFFF086  }
0x25: {  	[simem:s6], [sflag:s4] =	dma.local [hbm:s3], $0xF7A  }
0x26: {  	[smem:$0x3F9B] =	sst s1;
	(tag) =	ssettag s2;
	_ =	strace s9  }
0x27: {  	s1 =	sld [smem:$0x3FAB]  }
0x28: {  	s2 =	sld [smem:$0x3FAC]  }
0x29: {  	s4 =	sld [smem:$0x3FAE]  }
0x2a: {  	p0 =	seq.s32 s5, $0x0;
	s5 =	sld [smem:$0x3FAF]  }
0x2b: {  	s6 =	sld [smem:$0x3FB0]  }
0x2c: {  	s7 =	sld [smem:$0x3FB1]  }
0x2d: {  	s3 =	simm.s32 $0x108;
	s8 =	sld [smem:$0x3FB2]  }
0x2e: {  	s3 =	simm.s32 @!p0 $0x1082;
	s9 =	sld [smem:$0x3FB3]  }
0x2f: {  	lr =	sadd.s32 s0, s3;
	s0 =	sld [smem:$0x3FAA]  }
0x30: {  	s3 =	sld [smem:$0x3FAD]  }
0x31: {  	[smem:$0x3FB6] =	sst s10  }
0x32: {  	s10 =	sld [smem:$0x3FB4];
	_ =	sdelay $0x3  }
0x33: {  	p0 =	seq.s32 s10, $0x1;
	s10 =	sld [smem:$0x3FB6];
	_ =	sdelay $0x3  }
0x34: {  	[smem:$0x3FB6] =	sst s10  }
0x35: {  	s10 =	sld [smem:$0x3FB5];
	_ =	sdelay $0x3  }
0x36: {  	p1 =	seq.s32 s10, $0x1;
	s10 =	sld [smem:$0x3FB6];
	_ =	sdelay $0x3  }
0x37: {  	[smem:$0x3FB6] =	sst s10  }
0x38: {  	s10 =	sld [smem:$0x3FB7]  }
0x39: {  	_ = 	snop;
	(pc) =	sbr.ind lr, $3  }
0x3a: {  	_ = 	snop  }
0x3b: {  	_ = 	snop  }
0x3c: {  	p2 =	seq.s32 s10, $0x1;
	s10 =	sld [smem:$0x3FB6]  }
0x3d: {  	_ =	shalt  }
0x3e: {  	_ =	shalt  }
0x3f: {  	_ =	shalt  }
0x40: {  	_ =	shalt  }
0x41: {  	_ =	shalt  }
0x42: {  	_ =	shalt  }
0x43: {  	_ =	shalt  }
0x44: {  	_ =	shalt  }
0x45: {  	_ =	shalt  }
0x46: {  	_ =	shalt  }
0x47: {  	_ =	shalt  }
0x48: {  	_ =	shalt  }
0x49: {  	_ =	shalt  }
0x4a: {  	_ =	shalt  }
0x4b: {  	_ =	shalt  }
0x4c: {  	_ =	shalt  }
0x4d: {  	_ =	shalt  }
0x4e: {  	_ =	shalt  }
0x4f: {  	_ =	shalt  }
0x50: {  	_ =	shalt  }
0x51: {  	_ =	shalt  }
0x52: {  	_ =	shalt  }
0x53: {  	_ =	shalt  }
0x54: {  	_ =	shalt  }
0x55: {  	_ =	shalt  }
0x56: {  	_ =	shalt  }
0x57: {  	_ =	shalt  }
0x58: {  	_ =	shalt  }
0x59: {  	_ =	shalt  }
0x5a: {  	_ =	shalt  }
0x5b: {  	_ =	shalt  }
0x5c: {  	_ =	shalt  }
0x5d: {  	_ =	shalt  }
0x5e: {  	_ =	shalt  }
0x5f: {  	_ =	shalt  }
0x60: {  	_ =	shalt  }
0x61: {  	_ =	shalt  }
0x62: {  	_ =	shalt  }
0x63: {  	_ =	shalt  }
0x64: {  	_ =	shalt  }
0x65: {  	_ =	shalt  }
0x66: {  	_ =	shalt  }
0x67: {  	_ =	shalt  }
0x68: {  	_ =	shalt  }
0x69: {  	_ =	shalt  }
0x6a: {  	_ =	shalt  }
0x6b: {  	_ =	shalt  }
0x6c: {  	_ =	shalt  }
0x6d: {  	_ =	shalt  }
0x6e: {  	_ =	shalt  }
0x6f: {  	_ =	shalt  }
0x70: {  	_ =	shalt  }
0x71: {  	_ =	shalt  }
0x72: {  	_ =	shalt  }
0x73: {  	_ =	shalt  }
0x74: {  	_ =	shalt  }
0x75: {  	_ =	shalt  }
0x76: {  	_ =	shalt  }
0x77: {  	_ =	shalt  }
0x78: {  	_ =	shalt  }
0x79: {  	_ =	shalt  }
0x7a: {  	_ =	shalt  }
0x7b: {  	_ =	shalt  }
0x7c: {  	_ =	shalt  }
0x7d: {  	_ =	shalt  }
0x7e: {  	_ =	shalt  }
0x7f: {  	_ =	shalt  }
0x80: {  	_ =	shalt  }
0x81: {  	_ =	shalt  }
0x82: {  	_ =	shalt  }
0x83: {  	_ =	shalt  }
0x84: {  	_ =	shalt  }
0x85: {  	_ =	shalt  }
0x86: {  	_ =	shalt  }
0x87: {  	_ =	shalt  }
.Lfunc_end0:
.L_simem_size_0:
called_computation_lowered:
.L_overlay_start_0:
0x88: {  	s2 =	sld [smem:$0x3FD9]  }
0x89: {  	s3 =	sld [smem:$0x3FFE];
	_ =	sdelay $0x1  }
0x8a: {  	s1 =	srdreg.scid  }
0x8b: {  	s0 =	sand.u32 $0x1, s1  }
0x8c: {  	s17 =	sshll.u32 s0, $0xA;
	s2 =	sadd.s32 s3, s2  }
0x8d: {  	s2 =	sadd.s32 s2, s17  }
0x8e: {  	[smem:$0x3FC2] =	sst s2  }
0x8f: {  	_ = 	snop  }
0x90: {  	s2 =	sld [smem:$0x3FD0];
	(tm) =	ssettm $0x1  }
0x91: {  	s18 =	sld [smem:$0x3FFB];
	_ =	sdelay $0x3  }
0x92: {  	_ =	strace s18  }
0x93: {  	s3 =	sld [smem:$0x3FFC];
	_ =	sdelay $0x3  }
0x94: {  	_ =	strace s3  }
0x95: {  	s3 =	sld [smem:$0x3FFD];
	_ =	sdelay $0x3  }
0x96: {  	_ =	strace s3  }
0x97: {  	_ =	strace $0x8FFFFFFF  }
0x98: {  	s19 =	sld [smem:$0x3FDB];
	_ =	sdelay $0x1  }
0x99: {  	s4 =	simm.s32 $_scs_section_size  }
0x9a: {  	s5 =	simm.s32 $_size__tile_overlayer_lowered;
	s6 =	simm.s32 $_tile_overlayer_lowered  }
0x9b: {  	s22 =	simm.s32 $0x1BFF;
	s21 =	sshll.u32 s6, $0x1;
	s3 =	sadd.s32 s4, s19  }
0x9c: {  	s7 =	simm.s32 $0x0;
	s20 =	sshll.u32 s5, $0x1;
	s5 =	sadd.s32 s21, s3  }
0x9d: {  	[timem:s7], [sflag:s22] =	dma.local [hbm:s5], s20  }
0x9e: {  	_ =	swait.ge [sflag:s22], s20  }
0x9f: {  	s4 =	ssub.s32 $0x0, s20;
	[sflag:s22] =	ssyncset.done $0x0  }
0xa0: {  	[sflag:s22] =	ssyncadd.s32 s4;
	_ =	sdelay $0x1  }
0xa1: {  	s23 =	simm.s32 $0x1B8B  }
0xa2: {  	_ =	swait.ge [sflag:s23], $0x1  }
0xa3: {  	[sflag:s23] =	ssyncset.done $0x0  }
0xa4: {  	s25 =	simm.s32 $0x1B8E;
	s24 =	sld [smem:$0x3FFE];
	[sflag:s23] =	ssyncadd.s32 $0xFFFFFFFF  }
0xa5: {  	s26 =	simm.s32 $execute0_lowered;
	[smem:$0x3FD2] =	sst s25  }
0xa6: {  	s5 =	sshll.u32 s26, $0x1;
	_ =	strace $0x80000046;
	[dreg:$0x1] =	wrdreg $0xFFFFFFFF  }
0xa7: {  	s28 =	simm.s32 $_size_execute0_lowered;
	s3 =	sadd.s32 s3, s5;
	[dreg:$0x0] =	wrdreg $0x0  }
0xa8: {  	s5 =	sshll.u32 s28, $0x1;
	[dreg:$0x2] =	wrdreg s3  }
0xa9: {  	[dreg:$0x3] =	wrdreg s5  }
0xaa: {  	[dreg:$0x4] =	wrdreg $0xC0  }
0xab: {  	_ =	task [dreg:s7], $0x5FFFF  }
0xac: {  	[dreg:$0x1] =	wrdreg $0xFFFFFFFF  }
0xad: {  	[dreg:$0x0] =	wrdreg $0x60  }
0xae: {  	[dreg:$0x2] =	wrdreg s24  }
0xaf: {  	[dreg:$0x3] =	wrdreg s2  }
0xb0: {  	[dreg:$0x4] =	wrdreg $0x98800  }
0xb1: {  	[dreg:$0x5] =	wrdreg $0x9  }
0xb2: {  	_ =	task.clear_ibuf [dreg:s7], $0x6FFFF;
	_ =	strace $0x90000046  }
0xb3: {  	s29 =	simm.s32 $0x9;
	_ =	strace $0x80000048  }
0xb4: {  	_ =	swait.ge [sflag:s29], $0x1  }
0xb5: {  	[sflag:s29] =	ssyncadd.s32 $0xFFFFFFFF  }
0xb6: {  	_ =	strace $0x90000048  }
0xb7: {  	_ =	sfence  }
0xb8: {  	s30 =	sld [smem:$0x0];
	_ =	sdelay $0x2  }
0xb9: {  	s31 =	sshll.u32 s1, $0xD;
	s1 =	sshrl.u32 s1, $0x2  }
0xba: {  	s3 =	sand.u32 $0x4000, s31;
	s1 =	sadd.s32 s1, s30  }
0xbb: {  	s0 =	sor.u32 s3, s0;
	s1 =	sshll.u32 s1, $0x11  }
0xbc: {  	s0 =	sor.u32 s1, s0  }
0xbd: {  	s0 =	sadd.s32 $0x8F2B, s0  }
0xbe: {  	[sflag:s0] =	ssyncadd.remote.s32 $0x1  }
0xbf: {  	_ =	sfence.sel $0xFFFF  }
0xc0: {  	[dreg:$0x0] =	wrdreg $0xFFFFFFFF;
	(pc) =	sbr.abs _section_cstart, $3  }
0xc1: {  	[dreg:$0x1] =	wrdreg $0xFFFFFFFF  }
0xc2: {  	_ =	task.clear_ibuf [dreg:s7], $0x2FFFF;
	_ =	strace $0x9FFFFFFF  }
0xc3: {  	(tm) =	ssettm $0x7FFFFFFF  }
tec
execute0_lowered:
.L_overlay_start_1:
0x0: {  	(tag) =	ssettag $0x1  }
0x1: {  	s0 =	rddreg [dreg:$0x0]  }
0x2: {  	s1 =	rddreg [dreg:$0x1]  }
0x3: {  	s2 =	rddreg [dreg:$0x2];
	s4 =	simm.s32 $0x0  }
0x4: {  	s3 =	srdreg.scid;
	s18 =	stileid.u32;
	s21 =	simm.s32 $0x50  }
0x5: {  	s23 =	simm.s32 $0x1;
	s24 =	simm.s32 $0x8;
	s28 =	simm.s32 $0xA  }
0x6: {  	s29 =	simm.s32 $0x0;
	[smem:$0x7FF] =	sst s4;
	s3 =	sand.u32 $0x1, s3  }
0x7: {  	s6 =	sshll.u32 s18, $0x1;
	s5 =	sadd.s32 $0x400, s0;
	s10 =	smul.u32 $0x58E00, s18  }
0x8: {  	s7 =	sadd.s32 $0xA200, s0;
	s8 =	sadd.s32 $0x36200, s0;
	s9 =	sadd.s32 $0x3B200, s0  }
0x9: {  	s0 =	sadd.s32 $0x3E000, s0;
	s25 =	smul.u32 $0x16380, s18;
	s17 =	sadd.s32 $0x14D480, s2  }
0xa: {  	p0 =	seq.s32 s18, $0xF;
	_ =	strace $0x80000047;
	s6 =	sor.u32 s3, s6  }
0xb: {  	s12 =	ssub.s32 $0x2, s3;
	s3 =	smul.u32 $0x15F900, s3;
	s17 =	sshrl.u32 @p0 s17, $0x3  }
0xc: {  	s13 =	smul.u32 $0x50, s6;
	s14 =	sshrl.u32 s12, $0x1;
	s10 =	sshrl.u32 s10, $0x2  }
0xd: {  	s11 =	smul.u32 $0xA, s6;
	s12 =	ssub.s32 s12, s14;
	s10 =	sadd.s32 s10, s2  }
0xe: {  	s26 =	sadd.s32 s25, s3;
	s3 =	sshrl.u32 s3, $0x3;
	s13 =	sshrl.u32 s13, $0x3  }
0xf: {  	s15 =	sadd.s32 s5, s11;
	s11 =	sadd.s32 s1, s11;
	s31 =	sshrl.u32 s26, $0x3  }
0x10: {  	s16 =	smax.u32 s12, $0x1;
	s19 =	sshrl.u32 @!p0 s10, $0x3;
	[dreg:$0x4] =	wrdreg s15  }
0x11: {  	s26 =	simm.s32 $0x9;
	s13 =	sadd.s32 $0x140, s13;
	[dreg:$0x5] =	wrdreg s11  }
0x12: {  	s11 =	sadd.s32 s0, s31;
	s0 =	sadd.s32 s0, s3;
	s30 =	sadd.s32 s5, s13  }
0x13: {  	s13 =	sadd.s32 s1, s13;
	[dreg:$0x8] =	wrdreg s11;
	s11 =	sadd.s32 s25, s2  }
0x14: {  	s15 =	sadd.s32 $0x29A90, s0;
	s0 =	sshll.u32 @!p0 s18, $0x6;
	[dreg:$0x6] =	wrdreg s30  }
0x15: {  	vm0 =	vmmov $0xff;
	[dreg:$0x7] =	wrdreg s13;
	s18 =	sor.u32 @!p0 $0x1C0B, s0;
	s25 =	sshrl.u32 @!p0 s11, $0x3  }
.LBB2_1:
0x16: {  	s0 =	simm.s32 @p0 $0x1FCB  }
0x17: {  	[spmem:s17], [sflag:s0] =	dma.local @p0 [hbm:s9], $0x2490  }
0x18: {  	s0 =	simm.s32 @p0 $0xB  }
0x19: {  	_ =	swait.ge @p0 [sflag:s0], $0x2490  }
0x1a: {  	[sflag:s0] =	ssyncset.done @p0 $0x0  }
0x1b: {  	[sflag:s0] =	ssyncadd.s32 @p0 $0xFFFFDB70;
	s0 =	simm.s32 @!p0 $0xB  }
0x1c: {  	[spmem:s19], [sflag:s18] =	dma.local @!p0 [hbm:s9], $0x2C70  }
0x1d: {  	_ =	swait.ge @!p0 [sflag:s0], $0x2C70  }
0x1e: {  	[sflag:s0] =	ssyncset.done @!p0 $0x0  }
0x1f: {  	[sflag:s0] =	ssyncadd.s32 @!p0 $0xFFFFD390  }
0x20: {  	[bflag:$0x0] =	sbarrier.arrive $0xFFFF  }
0x21: {  	s14 =	rddreg [dreg:$0x4]  }
0x22: {  	[tilespmem:s4], [sflag:$0x1] =	stream.linear.gather [hbm4b:s14+s4], $0x50, $0x38;
	[tilespmem:$0x1F810] =	vst v63  }
0x23: {  	s3 =	simm.s32 $0x140;
	s20 =	rddreg [dreg:$0x5]  }
0x24: {  	[tilespmem:s3], [sflag:$0x1] =	stream.linear.gather [hbm4b:s20+s4], $0x50, $0x38;
	[tilespmem:$0x1F810] =	vst v63  }
0x25: {  	s22 =	rddreg [dreg:$0x6]  }
0x26: {  	[tilespmem:s21], [sflag:$0x2] =	stream.linear.gather [hbm4b:s22+s4], $0x50, $0x38;
	[tilespmem:$0x1F810] =	vst v63  }
0x27: {  	s10 =	simm.s32 $0x190;
	s30 =	rddreg [dreg:$0x7]  }
0x28: {  	[tilespmem:s10], [sflag:$0x2] =	stream.linear.gather [hbm4b:s30+s4], $0x50, $0x38;
	[tilespmem:$0x1F810] =	vst v63  }
0x29: {  	_ =	swait.ge [sflag:s23], $0x50  }
0x2a: {  	[sflag:s23] =	ssyncset.done $0x0  }
0x2b: {  	[sflag:s23] =	ssyncadd.s32 $0xFFFFFFB0  }
0x2c: {  	_ =	swait.ge [sflag:s23], $0x50  }
0x2d: {  	[sflag:s23] =	ssyncset.done $0x0  }
0x2e: {  	s12 =	simm.s32 $0x1180;
	[sflag:s23] =	ssyncadd.s32 $0xFFFFFFB0  }
0x2f: {  	[tilespmem:s12], [sflag:$0x5] =	stream.indirect.gather [hbm4b:s7+s21], $0x90, s4, s21, $0xb8;
	[tilespmem:$0x1F810] =	vst v63  }
0x30: {  	s31 =	simm.s32 $0x280;
	s0 =	simm.s32 $0x0  }
0x31: {  	[tilespmem:s31], [sflag:$0x5] =	stream.indirect.gather [hbm4b:s8+s21], $0x10, s3, s21, $0xb8;
	[tilespmem:$0x1F810] =	vst v63  }
.LBB2_2:
0x32: {  	p1 =	seq.s32 s0, $0x7C  }
.Ltmp0:
0x33: {  	_ = 	snop;
	(pc) =	sbr.rel @p1 .LBB2_4-.Ltmp0, $2  }
0x34: {  	_ =	sdelay $0x2  }
0x35: {  	s10 =	smul.u32 $0xAB, s0;
	s3 =	sadd.s32 $0x1, s0  }
0x36: {  	_ = 	snop  }
0x37: {  	s11 =	sadd.s32 $0xAB, s10  }
0x38: {  	s11 =	sshrl.u32 s11, $0x9  }
0x39: {  	s11 =	sand.u32 $0x7F, s11  }
0x3a: {  	s11 =	smul.u32 $0x3, s11;
	_ =	sdelay $0x1  }
0x3b: {  	s11 =	ssub.s32 s3, s11  }
0x3c: {  	p1 =	slt.u32 s0, $0x2;
	s11 =	sand.u32 $0xFF, s11  }
0x3d: {  	s13 =	sadd.s32 @!p1 $0x8, s11  }
0x3e: {  	p2 =	sgt.u32 @!p1 s0, $0x7A;
	_ =	swait.ge @!p1 [sflag:s13], $0x2D00  }
0x3f: {  	p2 =	por p1, !p2;
	[sflag:s13] =	ssyncset.done @!p1 $0x0  }
0x40: {  	[sflag:s13] =	ssyncadd.s32 @!p1 $0xFFFFD300;
	s13 =	sadd.s32 @p2 $0x2, s0  }
0x41: {  	s14 =	sshll.u32 @p2 s13, $0x5  }
0x42: {  	s14 =	sor.u32 @p2 s6, s14  }
0x43: {  	s13 =	sand.u32 @p2 $0x3, s13;
	s14 =	smul.u32 @p2 $0xA, s14  }
0x44: {  	s20 =	smul.u32 @p2 $0x50, s13  }
0x45: {  	s13 =	sadd.s32 @p2 $0x1, s13;
	s22 =	sadd.s32 @p2 s5, s14  }
0x46: {  	[tilespmem:s20], [sflag:s13] =	stream.linear.gather @p2 [hbm4b:s22+s4], $0x50, $0x38;
	[tilespmem:$0x1F810] =	vst v63  }
0x47: {  	s14 =	sadd.s32 @p2 s1, s14;
	s20 =	sadd.s32 @p2 $0x140, s20  }
0x48: {  	[tilespmem:s20], [sflag:s13] =	stream.linear.gather @p2 [hbm4b:s14+s4], $0x50, $0x38;
	[tilespmem:$0x1F810] =	vst v63  }
0x49: {  	s20 =	sand.u32 $0x3, s3  }
0x4a: {  	s22 =	sadd.s32 $0x1, s20  }
0x4b: {  	_ =	swait.ge [sflag:s22], $0x50  }
0x4c: {  	[sflag:s22] =	ssyncset.done $0x0  }
0x4d: {  	[sflag:s22] =	ssyncadd.s32 $0xFFFFFFB0  }
0x4e: {  	s30 =	smul.u32 $0xB400, s11;
	_ =	swait.ge [sflag:s22], $0x50  }
0x4f: {  	[sflag:s22] =	ssyncset.done $0x0  }
0x50: {  	s13 =	smul.u32 $0x50, s20;
	[sflag:s22] =	ssyncadd.s32 $0xFFFFFFB0;
	s22 =	sshrl.u32 s30, $0x2  }
0x51: {  	s30 =	sadd.s32 $0x5, s11;
	s11 =	smul.u32 $0x1400, s11;
	s14 =	sadd.s32 $0x1180, s22  }
0x52: {  	[tilespmem:s14], [sflag:s30] =	stream.indirect.gather [hbm4b:s7+s21], $0x90, s13, s21, $0xb8;
	[tilespmem:$0x1F810] =	vst v63  }
0x53: {  	s11 =	sshrl.u32 s11, $0x2  }
0x54: {  	s13 =	sadd.s32 $0x140, s13;
	s11 =	sadd.s32 $0x280, s11  }
0x55: {  	[tilespmem:s11], [sflag:s30] =	stream.indirect.gather [hbm4b:s8+s21], $0x10, s13, s21, $0xb8;
	[tilespmem:$0x1F810] =	vst v63  }
.LBB2_4:
0x56: {  	_ = 	snop  }
0x57: {  	s10 =	sshrl.u32 s10, $0x9  }
0x58: {  	s10 =	sand.u32 $0x7F, s10  }
0x59: {  	s10 =	smul.u32 $0x3, s10  }
0x5a: {  	s11 =	smulhi.u32 $0xAAAAAAAB, s0  }
0x5b: {  	s10 =	ssub.s32 s0, s10  }
0x5c: {  	s11 =	sshrl.u32 s11, $0x1;
	s22 =	sand.u32 $0xFF, s10  }
0x5d: {  	s20 =	smul.u32 $0xFFFDE400, s11;
	s13 =	sadd.s32 $0x5, s22  }
0x5e: {  	_ =	swait.ge [sflag:s13], $0x2D00  }
0x5f: {  	s10 =	sshra.s32 s20, $0x2;
	[sflag:s13] =	ssyncset.done $0x0  }
0x60: {  	s11 =	smul.u32 $0xFFFFC400, s11;
	v0 =	vmov s10;
	[sflag:s13] =	ssyncadd.s32 $0xFFFFD300  }
0x61: {  	_ =	swait.ge [sflag:s13], $0x500  }
0x62: {  	s14 =	sshra.s32 s11, $0x2;
	[sflag:s13] =	ssyncset.done $0x0  }
0x63: {  	s10 =	sadd.s32 s14, s31;
	[sflag:s13] =	ssyncadd.s32 $0xFFFFFB00  }
0x64: {  	v1 =	vld [tilespmem:s10+$0x0]  }
0x65: {  	v2 =	vld.idx.msk [tilespmem:v0+s12+$0x80 ss:$0x1], $0xffff;
	_ =	sdelay $0x2  }
0x66: {  	v3 =	vld [tilespmem:s10+$0x70]  }
0x67: {  	v4 =	vld.idx.msk [tilespmem:v0+s12+$0x470 ss:$0x1], $0xffff  }
0x68: {  	v1 =	vadd.f32 v1, v2;
	_ =	sdelay $0x1  }
0x69: {  	v2 =	vmul.f32 $2.000000030e-01, v1  }
0x6a: {  	vm1 =	vge.f32 v1, $0.0e+00  }
0x6b: {  	v1 =	vsel vm1, v1, v2;
	v2 =	vadd.f32 v3, v4;
	_ =	sdelay $0x1  }
0x6c: {  	v1 =	vmul.f32 $1.442695020e+00, v1;
	v3 =	vmul.f32 $2.000000030e-01, v2  }
0x6d: {  	vm1 =	vge.f32 v2, $0.0e+00  }
0x6e: {  	v5 =	vld [tilespmem:s10+$0x50];
	(erf) = vpow2.f32 v1;
	v1 =	vsel vm1, v2, v3  }
0x6f: {  	v6 =	vld [tilespmem:s10+$0x60];
	v1 =	vmul.f32 $1.442695020e+00, v1  }
0x70: {  	v7 =	vld.idx.msk [tilespmem:v0+s12+$0x3F0 ss:$0x1], $0xffff  }
0x71: {  	v8 =	vld.idx.msk [tilespmem:v0+s12+$0x2C0 ss:$0x1], $0xffff;
	(erf) = vpow2.f32 v1  }
0x72: {  	v10 =	vld.idx.msk [tilespmem:v0+s12+$0x3E0 ss:$0x1], $0xffff  }
0x73: {  	v4 =	vld.idx.msk [tilespmem:v0+s12+$0x1A0 ss:$0x1], $0xffff  }
0x74: {  	v3 =	vld [tilespmem:s10+$0x20]  }
0x75: {  	v2 =	vld.idx.msk [tilespmem:v0+s12+$0x0 ss:$0x1], $0xffff  }
0x76: {  	v11 =	vld.idx.msk [tilespmem:v0+s12+$0x350 ss:$0x1], $0xffff  }
0x77: {  	v1 =	vld [tilespmem:s10+$0x40];
	v22 =	vpop (erf)  }
0x78: {  	v12 =	vld.idx.msk [tilespmem:v0+s12+$0x230 ss:$0x1], $0xffff;
	v9 =	vbroadcast v22, $0x0  }
0x79: {  	v13 =	vld [tilespmem:s10+$0x30]  }
0x7a: {  	v3 =	vadd.f32 v3, v4;
	v9 =	vmul.f32 v9, v2;
	v2 =	vpop (erf)  }
0x7b: {  	v16 =	vld.idx.msk [tilespmem:v0+s12+$0x110 ss:$0x1], $0xffff;
	v6 =	vadd.f32 v6, v10;
	v14 =	vbroadcast v2, $0x0  }
0x7c: {  	v4 =	vadd.f32 v5, v11;
	v11 =	vmul.f32 $2.000000030e-01, v3;
	v1 =	vadd.f32 v1, v8;
	v8 =	vld [tilespmem:s10+$0x10];
	[tilespmem:v0+s12+$0x0 ss:$0x1] =	vst.idx.msk $0xffff, v9  }
0x7d: {  	v10 =	vmul.f32 $2.000000030e-01, v6;
	vm2 =	vge.f32 v3, $0.0e+00;
	v15 =	vld.idx.msk [tilespmem:v0+s12+$0x10 ss:$0x1], $0xffff;
	v7 =	vmul.f32 v14, v7  }
0x7e: {  	v12 =	vadd.f32 v13, v12;
	vm1 =	vge.f32 v6, $0.0e+00;
	v3 =	vsel vm2, v3, v11  }
0x7f: {  	v6 =	vsel vm1, v6, v10;
	v3 =	vmul.f32 $1.442695020e+00, v3;
	v14 =	vmul.f32 $2.000000030e-01, v1;
	[tilespmem:v0+s12+$0x3F0 ss:$0x1] =	vst.idx.msk $0xffff, v7  }
0x80: {  	v13 =	vmul.f32 $2.000000030e-01, v4;
	vm3 =	vge.f32 v1, $0.0e+00;
	v9 =	vbroadcast v22, $0x1;
	v7 =	vld.idx.msk [tilespmem:v0+s12+$0x400 ss:$0x1], $0xffff  }
0x81: {  	v24 =	vld.idx.msk [tilespmem:v0+s12+$0x1B0 ss:$0x1], $0xffff;
	vm2 =	vge.f32 v4, $0.0e+00;
	(erf) = vpow2.f32 v3;
	v1 =	vsel vm3, v1, v14  }
0x82: {  	v19 =	vld.idx.msk [tilespmem:v0+s12+$0x90 ss:$0x1], $0xffff;
	v8 =	vadd.f32 v8, v16;
	v10 =	vmul.f32 $1.442695020e+00, v1;
	v9 =	vmul.f32 v9, v15  }
0x83: {  	v25 =	vld.idx.msk [tilespmem:v0+s12+$0x2D0 ss:$0x1], $0xffff;
	v3 =	vsel vm2, v4, v13;
	v4 =	vmul.f32 $1.442695020e+00, v6;
	v5 =	vbroadcast v2, $0x1  }
0x84: {  	v17 =	vld.idx.msk [tilespmem:v0+s12+$0x240 ss:$0x1], $0xffff;
	v6 =	vmul.f32 $2.000000030e-01, v8;
	(erf) = vpow2.f32 v10;
	[tilespmem:v0+s12+$0x10 ss:$0x1] =	vst.idx.msk $0xffff, v9  }
0x85: {  	s14 =	sadd.s32 $0x480, s12;
	vm1 =	vge.f32 v8, $0.0e+00;
	(erf) = vpow2.f32 v4;
	v9 =	vld.idx.msk [tilespmem:v0+s12+$0x20 ss:$0x1], $0xffff;
	v5 =	vmul.f32 v5, v7  }
0x86: {  	s10 =	sadd.s32 $0x80, s10;
	v11 =	vld.idx.msk [tilespmem:v0+s14+$0x230 ss:$0x1], $0xffff;
	v3 =	vmul.f32 $1.442695020e+00, v3;
	v6 =	vsel vm1, v8, v6  }
0x87: {  	v31 =	vld [tilespmem:s10+$0x70];
	v4 =	vmul.f32 $1.442695020e+00, v6;
	v6 =	vmul.f32 $2.000000030e-01, v12;
	[tilespmem:v0+s12+$0x400 ss:$0x1] =	vst.idx.msk $0xffff, v5  }
0x88: {  	(erf) = vpow2.f32 v3;
	v3 =	vbroadcast v22, $0x2;
	v14 =	vld.idx.msk [tilespmem:v0+s12+$0x410 ss:$0x1], $0xffff  }
0x89: {  	vm1 =	vge.f32 v12, $0.0e+00;
	(erf) = vpow2.f32 v4;
	v5 =	vld.idx.msk [tilespmem:v0+s12+$0x120 ss:$0x1], $0xffff  }
0x8a: {  	v23 =	vbroadcast v22, $0x6;
	v59 =	vld [tilespmem:s10+$0x0];
	v4 =	vsel vm1, v12, v6;
	v3 =	vmul.f32 v3, v9  }
0x8b: {  	v8 =	vld [tilespmem:s10+$0x20];
	v20 =	vpop (erf);
	v12 =	vbroadcast v2, $0x2;
	v6 =	vmul.f32 $1.442695020e+00, v4  }
0x8c: {  	v27 =	vbroadcast v22, $0x3;
	v7 =	vld.idx.msk [tilespmem:v0+s12+$0x360 ss:$0x1], $0xffff;
	[tilespmem:v0+s12+$0x20 ss:$0x1] =	vst.idx.msk $0xffff, v3;
	v3 =	vbroadcast v20, $0x0  }
0x8d: {  	(erf) = vpow2.f32 v6;
	v6 =	vnsel vm0, $0x0, v22;
	v16 =	vpop (erf);
	v26 =	vld.idx.msk [tilespmem:v0+s12+$0x30 ss:$0x1], $0xffff;
	v18 =	vmul.f32 v12, v14  }
0x8e: {  	v1 =	vld.idx.msk [tilespmem:v0+s14+$0x1B0 ss:$0x1], $0xffff;
	[tilespmem:v0+s12+$0x80 ss:$0x1] =	vst.idx.msk $0xffff, v6;
	v3 =	vmul.f32 v3, v5;
	v5 =	vbroadcast v16, $0x0;
	v14 =	vpop (erf)  }
0x8f: {  	v35 =	vbroadcast v22, $0x4;
	v21 =	vnsel vm0, $0x0, v2;
	v15 =	vld [tilespmem:s10+$0x60];
	v6 =	vbroadcast v14, $0x0;
	[tilespmem:v0+s12+$0x410 ss:$0x1] =	vst.idx.msk $0xffff, v18  }
0x90: {  	v39 =	vbroadcast v22, $0x5;
	v10 =	vld [tilespmem:s10+$0x40];
	[tilespmem:v0+s12+$0x120 ss:$0x1] =	vst.idx.msk $0xffff, v3;
	v3 =	vmul.f32 v5, v17  }
0x91: {  	v13 =	vbroadcast v2, $0x7;
	v28 =	vld.idx.msk [tilespmem:v0+s12+$0x420 ss:$0x1], $0xffff;
	v6 =	vmul.f32 v6, v7;
	[tilespmem:v0+s12+$0x470 ss:$0x1] =	vst.idx.msk $0xffff, v21;
	v18 =	vpop (erf)  }
0x92: {  	v9 =	vld.idx.msk [tilespmem:v0+s14+$0x1A0 ss:$0x1], $0xffff;
	[tilespmem:v0+s12+$0x240 ss:$0x1] =	vst.idx.msk $0xffff, v3;
	v26 =	vmul.f32 v26, v27;
	v5 =	vbroadcast v18, $0x0;
	v21 =	vpop (erf)  }
0x93: {  	v60 =	vbroadcast v20, $0x2;
	v29 =	vld.idx.msk [tilespmem:v0+s12+$0x130 ss:$0x1], $0xffff;
	[tilespmem:v0+s12+$0x360 ss:$0x1] =	vst.idx.msk $0xffff, v6;
	v30 =	vbroadcast v21, $0x0  }
0x94: {  	v49 =	vbroadcast v20, $0x3;
	v12 =	vld [tilespmem:s10+$0x50];
	v32 =	vnsel vm0, $0x0, v21;
	[tilespmem:v0+s12+$0x30 ss:$0x1] =	vst.idx.msk $0xffff, v26;
	v25 =	vmul.f32 v5, v25  }
0x95: {  	v3 =	vbroadcast v2, $0x3;
	v33 =	vld.idx.msk [tilespmem:v0+s12+$0x250 ss:$0x1], $0xffff;
	[tilespmem:v0+s12+$0x110 ss:$0x1] =	vst.idx.msk $0xffff, v32;
	v6 =	vmul.f32 v30, v19  }
0x96: {  	v4 =	vbroadcast v22, $0x7;
	v34 =	vld.idx.msk [tilespmem:v0+s12+$0x40 ss:$0x1], $0xffff;
	v19 =	vpop (erf);
	v30 =	vbroadcast v20, $0x1;
	[tilespmem:v0+s12+$0x2D0 ss:$0x1] =	vst.idx.msk $0xffff, v25  }
0x97: {  	v27 =	vld.idx.msk [tilespmem:v0+s12+$0x370 ss:$0x1], $0xffff;
	v25 =	vbroadcast v19, $0x0;
	[tilespmem:v0+s12+$0x90 ss:$0x1] =	vst.idx.msk $0xffff, v6;
	v6 =	vmul.f32 v28, v3  }
0x98: {  	v17 =	vld.idx.msk [tilespmem:v0+s14+$0x3F0 ss:$0x1], $0xffff;
	v7 =	vbroadcast v16, $0x1;
	v26 =	vmul.f32 v30, v29  }
0x99: {  	v54 =	vbroadcast v16, $0x3;
	v28 =	vld.idx.msk [tilespmem:v0+s12+$0x2E0 ss:$0x1], $0xffff;
	v24 =	vmul.f32 v25, v24;
	[tilespmem:v0+s12+$0x420 ss:$0x1] =	vst.idx.msk $0xffff, v6  }
0x9a: {  	v29 =	vbroadcast v14, $0x1;
	v30 =	vld.idx.msk [tilespmem:v0+s12+$0xA0 ss:$0x1], $0xffff;
	[tilespmem:v0+s12+$0x130 ss:$0x1] =	vst.idx.msk $0xffff, v26;
	v26 =	vmul.f32 v7, v33  }
0x9b: {  	v62 =	vbroadcast v14, $0x2;
	v32 =	vld.idx.msk [tilespmem:v0+s14+$0x470 ss:$0x1], $0xffff;
	v34 =	vmul.f32 v34, v35;
	[tilespmem:v0+s12+$0x1B0 ss:$0x1] =	vst.idx.msk $0xffff, v24  }
0x9c: {  	v58 =	vld.idx.msk [tilespmem:v0+s12+$0x430 ss:$0x1], $0xffff;
	v24 =	vmul.f32 v29, v27;
	v29 =	vbroadcast v18, $0x1;
	[tilespmem:v0+s12+$0x250 ss:$0x1] =	vst.idx.msk $0xffff, v26  }
0x9d: {  	v51 =	vbroadcast v14, $0x3;
	v36 =	vbroadcast v21, $0x1;
	v27 =	vld.idx.msk [tilespmem:v0+s12+$0x140 ss:$0x1], $0xffff;
	[tilespmem:v0+s12+$0x40 ss:$0x1] =	vst.idx.msk $0xffff, v34  }
0x9e: {  	v44 =	vbroadcast v18, $0x2;
	v26 =	vnsel vm0, $0x0, v14;
	v37 =	vld.idx.msk [tilespmem:v0+s12+$0x1C0 ss:$0x1], $0xffff;
	[tilespmem:v0+s12+$0x370 ss:$0x1] =	vst.idx.msk $0xffff, v24;
	v28 =	vmul.f32 v29, v28  }
0x9f: {  	v38 =	vld.idx.msk [tilespmem:v0+s12+$0x260 ss:$0x1], $0xffff;
	[tilespmem:v0+s12+$0x3E0 ss:$0x1] =	vst.idx.msk $0xffff, v26;
	v26 =	vmul.f32 v36, v30;
	v30 =	vbroadcast v2, $0x4  }
0xa0: {  	v56 =	vbroadcast v18, $0x3;
	v22 =	vbroadcast v21, $0x6;
	v63 =	vld.idx.msk [tilespmem:v0+s12+$0x50 ss:$0x1], $0xffff  }
0xa1: {  	v24 =	vbroadcast v19, $0x1;
	v29 =	vld.idx.msk [tilespmem:v0+s12+$0x380 ss:$0x1], $0xffff;
	[tilespmem:v0+s12+$0x2E0 ss:$0x1] =	vst.idx.msk $0xffff, v28;
	v30 =	vmul.f32 v58, v30  }
0xa2: {  	[tilespmem:v0+s12+$0xA0 ss:$0x1] =	vst.idx.msk $0xffff, v26;
	v26 =	vbroadcast v16, $0x2;
	v28 =	vld.idx.msk [tilespmem:v0+s12+$0x2F0 ss:$0x1], $0xffff;
	v27 =	vmul.f32 v60, v27  }
0xa3: {  	v45 =	vbroadcast v21, $0x2;
	v61 =	vld.idx.msk [tilespmem:v0+s12+$0xB0 ss:$0x1], $0xffff;
	v24 =	vmul.f32 v24, v37;
	[tilespmem:v0+s12+$0x430 ss:$0x1] =	vst.idx.msk $0xffff, v30  }
0xa4: {  	v57 =	vbroadcast v21, $0x3;
	v30 =	vld.idx.msk [tilespmem:v0+s14+$0x80 ss:$0x1], $0xffff;
	[tilespmem:v0+s12+$0x140 ss:$0x1] =	vst.idx.msk $0xffff, v27;
	v26 =	vmul.f32 v26, v38  }
0xa5: {  	v5 =	vbroadcast v16, $0x7;
	v48 =	vmul.f32 v63, v39;
	v27 =	vld.idx.msk [tilespmem:v0+s12+$0x150 ss:$0x1], $0xffff;
	[tilespmem:v0+s12+$0x1C0 ss:$0x1] =	vst.idx.msk $0xffff, v24  }
0xa6: {  	v3 =	vbroadcast v19, $0x7;
	v25 =	vbroadcast v2, $0x6;
	v46 =	vld.idx.msk [tilespmem:v0+s12+$0x1D0 ss:$0x1], $0xffff;
	[tilespmem:v0+s12+$0x260 ss:$0x1] =	vst.idx.msk $0xffff, v26  }
0xa7: {  	v6 =	vbroadcast v21, $0x7;
	v29 =	vmul.f32 v62, v29;
	[tilespmem:v0+s12+$0x50 ss:$0x1] =	vst.idx.msk $0xffff, v48;
	v41 =	vld.idx.msk [tilespmem:v0+s12+$0x270 ss:$0x1], $0xffff  }
0xa8: {  	v52 =	vnsel vm0, $0x0, v20;
	v7 =	vbroadcast v20, $0x7;
	v2 =	vbroadcast v2, $0x5;
	v43 =	vld.idx.msk [tilespmem:v0+s12+$0x60 ss:$0x1], $0xffff  }
0xa9: {  	v28 =	vmul.f32 v44, v28;
	v44 =	vld.idx.msk [tilespmem:v0+s14+$0x2C0 ss:$0x1], $0xffff;
	[tilespmem:v0+s12+$0x380 ss:$0x1] =	vst.idx.msk $0xffff, v29;
	v29 =	vmul.f32 v45, v61  }
0xaa: {  	v24 =	vbroadcast v20, $0x6;
	[tilespmem:v0+s12+$0x1A0 ss:$0x1] =	vst.idx.msk $0xffff, v52;
	v26 =	vbroadcast v19, $0x5;
	v61 =	vld.idx.msk [tilespmem:v0+s14+$0x0 ss:$0x1], $0xffff  }
0xab: {  	v40 =	vnsel vm0, $0x0, v16;
	v62 =	vbroadcast v20, $0x4;
	v47 =	vld.idx.msk [tilespmem:v0+s12+$0x390 ss:$0x1], $0xffff;
	[tilespmem:v0+s12+$0xB0 ss:$0x1] =	vst.idx.msk $0xffff, v29;
	v29 =	vbroadcast v19, $0x2  }
0xac: {  	[tilespmem:v0+s12+$0x2F0 ss:$0x1] =	vst.idx.msk $0xffff, v28;
	v28 =	vld.idx.msk [tilespmem:v0+s12+$0x440 ss:$0x1], $0xffff;
	v30 =	vadd.f32 v59, v30;
	v35 =	vmul.f32 v27, v49  }
0xad: {  	[tilespmem:v0+s12+$0x2C0 ss:$0x1] =	vst.idx.msk $0xffff, v40;
	v45 =	vbroadcast v18, $0x4;
	v50 =	vld.idx.msk [tilespmem:v0+s12+$0x300 ss:$0x1], $0xffff;
	v29 =	vmul.f32 v29, v46  }
0xae: {  	v53 =	vld.idx.msk [tilespmem:v0+s12+$0xC0 ss:$0x1], $0xffff;
	v42 =	vmul.f32 $2.000000030e-01, v30;
	[tilespmem:v0+s12+$0x150 ss:$0x1] =	vst.idx.msk $0xffff, v35;
	v55 =	vmul.f32 v41, v54  }
0xaf: {  	v59 =	vbroadcast v19, $0x3;
	vm1 =	vge.f32 v30, $0.0e+00;
	v23 =	vmul.f32 v43, v23;
	v39 =	vld.idx.msk [tilespmem:v0+s12+$0x160 ss:$0x1], $0xffff;
	[tilespmem:v0+s12+$0x1D0 ss:$0x1] =	vst.idx.msk $0xffff, v29  }
0xb0: {  	v30 =	vsel vm1, v30, v42;
	v29 =	vmul.f32 v47, v51;
	[tilespmem:v0+s12+$0x270 ss:$0x1] =	vst.idx.msk $0xffff, v55;
	v58 =	vld.idx.msk [tilespmem:v0+s12+$0x1E0 ss:$0x1], $0xffff  }
0xb1: {  	v30 =	vmul.f32 $1.442695020e+00, v30;
	v2 =	vmul.f32 v28, v2;
	[tilespmem:v0+s12+$0x60 ss:$0x1] =	vst.idx.msk $0xffff, v23;
	v60 =	vld.idx.msk [tilespmem:v0+s12+$0x280 ss:$0x1], $0xffff  }
0xb2: {  	v27 =	vld [tilespmem:s10+$0x30];
	v42 =	vbroadcast v14, $0x4;
	v36 =	vmul.f32 v50, v56;
	[tilespmem:v0+s12+$0x390 ss:$0x1] =	vst.idx.msk $0xffff, v29;
	v29 =	vadd.f32 v31, v32  }
0xb3: {  	(erf) = vpow2.f32 v30;
	v30 =	vmul.f32 v53, v57;
	[tilespmem:v0+s12+$0x440 ss:$0x1] =	vst.idx.msk $0xffff, v2;
	v31 =	vld.idx.msk [tilespmem:v0+s12+$0x3A0 ss:$0x1], $0xffff  }
0xb4: {  	v28 =	vbroadcast v16, $0x4;
	[tilespmem:v0+s12+$0x300 ss:$0x1] =	vst.idx.msk $0xffff, v36;
	v43 =	vld.idx.msk [tilespmem:v0+s12+$0x450 ss:$0x1], $0xffff;
	v33 =	vmul.f32 v39, v62  }
0xb5: {  	[tilespmem:v0+s12+$0xC0 ss:$0x1] =	vst.idx.msk $0xffff, v30;
	v30 =	vld.idx.msk [tilespmem:v0+s12+$0x310 ss:$0x1], $0xffff;
	v2 =	vmul.f32 $2.000000030e-01, v29;
	v23 =	vmul.f32 v58, v59  }
0xb6: {  	v47 =	vbroadcast v19, $0x4;
	vm1 =	vge.f32 v29, $0.0e+00;
	v63 =	vld.idx.msk [tilespmem:v0+s12+$0xD0 ss:$0x1], $0xffff;
	[tilespmem:v0+s12+$0x160 ss:$0x1] =	vst.idx.msk $0xffff, v33;
	v28 =	vmul.f32 v60, v28  }
0xb7: {  	v50 =	vnsel vm0, $0x0, v19;
	v53 =	vld.idx.msk [tilespmem:v0+s14+$0x3E0 ss:$0x1], $0xffff;
	v62 =	vbroadcast v19, $0x6;
	v2 =	vsel vm1, v29, v2;
	[tilespmem:v0+s12+$0x1E0 ss:$0x1] =	vst.idx.msk $0xffff, v23  }
0xb8: {  	v19 =	vld [tilespmem:s10+$0x10];
	v2 =	vmul.f32 $1.442695020e+00, v2;
	v23 =	vmul.f32 v31, v42;
	[tilespmem:v0+s12+$0x280 ss:$0x1] =	vst.idx.msk $0xffff, v28;
	v28 =	vnsel vm0, $0x0, v18  }
0xb9: {  	v29 =	vld.idx.msk [tilespmem:v0+s12+$0x170 ss:$0x1], $0xffff;
	v31 =	vbroadcast v21, $0x4;
	v25 =	vmul.f32 v43, v25;
	[tilespmem:v0+s12+$0x350 ss:$0x1] =	vst.idx.msk $0xffff, v28  }
0xba: {  	v20 =	vbroadcast v20, $0x5;
	v46 =	vld.idx.msk [tilespmem:v0+s12+$0x1F0 ss:$0x1], $0xffff;
	v30 =	vmul.f32 v30, v45;
	[tilespmem:v0+s12+$0x3A0 ss:$0x1] =	vst.idx.msk $0xffff, v23  }
0xbb: {  	v60 =	vbroadcast v18, $0x6;
	v48 =	vld.idx.msk [tilespmem:v0+s12+$0x290 ss:$0x1], $0xffff;
	v23 =	vmul.f32 v63, v31;
	[tilespmem:v0+s12+$0x450 ss:$0x1] =	vst.idx.msk $0xffff, v25  }
0xbc: {  	v21 =	vbroadcast v21, $0x5;
	(erf) = vpow2.f32 v2;
	v31 =	vld.idx.msk [tilespmem:v0+s12+$0x70 ss:$0x1], $0xffff;
	v2 =	vpop (erf);
	[tilespmem:v0+s12+$0x310 ss:$0x1] =	vst.idx.msk $0xffff, v30  }
0xbd: {  	v28 =	vld.idx.msk [tilespmem:v0+s12+$0x3B0 ss:$0x1], $0xffff;
	v30 =	vbroadcast v2, $0x0;
	[tilespmem:v0+s12+$0xD0 ss:$0x1] =	vst.idx.msk $0xffff, v23;
	v23 =	vbroadcast v14, $0x5  }
0xbe: {  	v52 =	vld.idx.msk [tilespmem:v0+s12+$0x460 ss:$0x1], $0xffff;
	v20 =	vmul.f32 v29, v20;
	v29 =	vbroadcast v16, $0x5  }
0xbf: {  	[tilespmem:v0+s12+$0x230 ss:$0x1] =	vst.idx.msk $0xffff, v50;
	v57 =	vbroadcast v2, $0x1;
	v51 =	vld.idx.msk [tilespmem:v0+s12+$0xE0 ss:$0x1], $0xffff;
	v25 =	vmul.f32 v46, v47  }
0xc0: {  	v49 =	vld.idx.msk [tilespmem:v0+s12+$0x320 ss:$0x1], $0xffff;
	v30 =	vmul.f32 v30, v61;
	[tilespmem:v0+s12+$0x170 ss:$0x1] =	vst.idx.msk $0xffff, v20;
	v20 =	vmul.f32 v48, v29  }
0xc1: {  	v29 =	vld.idx.msk [tilespmem:v0+s12+$0x180 ss:$0x1], $0xffff;
	v31 =	vmul.f32 v31, v4;
	[tilespmem:v0+s12+$0x1F0 ss:$0x1] =	vst.idx.msk $0xffff, v25;
	v25 =	vbroadcast v18, $0x5  }
0xc2: {  	v28 =	vmul.f32 v28, v23;
	v23 =	vbroadcast v2, $0x2;
	[tilespmem:v0+s12+$0x290 ss:$0x1] =	vst.idx.msk $0xffff, v20;
	v54 =	vld.idx.msk [tilespmem:v0+s12+$0x200 ss:$0x1], $0xffff  }
0xc3: {  	v20 =	vbroadcast v18, $0x7;
	v32 =	vmul.f32 v52, v13;
	[tilespmem:v0+s14+$0x0 ss:$0x1] =	vst.idx.msk $0xffff, v30;
	v55 =	vld.idx.msk [tilespmem:v0+s12+$0x2A0 ss:$0x1], $0xffff  }
0xc4: {  	v18 =	vadd.f32 v10, v44;
	v59 =	vld.idx.msk [tilespmem:v0+s14+$0x10 ss:$0x1], $0xffff;
	[tilespmem:v0+s12+$0x3B0 ss:$0x1] =	vst.idx.msk $0xffff, v28;
	v21 =	vmul.f32 v51, v21  }
0xc5: {  	v13 =	vnsel vm0, $0x0, v2;
	[tilespmem:v0+s12+$0x70 ss:$0x1] =	vst.idx.msk $0xffff, v31;
	v33 =	vmul.f32 v49, v25;
	v4 =	vpop (erf);
	v25 =	vbroadcast v14, $0x7;
	v28 =	vld.idx.msk [tilespmem:v0+s12+$0x3C0 ss:$0x1], $0xffff  }
0xc6: {  	v10 =	vadd.f32 v27, v11;
	v31 =	vld.idx.msk [tilespmem:v0+s14+$0x350 ss:$0x1], $0xffff;
	v56 =	vbroadcast v4, $0x0;
	[tilespmem:v0+s12+$0xE0 ss:$0x1] =	vst.idx.msk $0xffff, v21;
	v21 =	vbroadcast v16, $0x6  }
0xc7: {  	v27 =	vadd.f32 v8, v9;
	v24 =	vmul.f32 v29, v24;
	v29 =	vbroadcast v14, $0x6;
	v16 =	vld.idx.msk [tilespmem:v0+s14+$0x110 ss:$0x1], $0xffff  }
0xc8: {  	[tilespmem:v0+s12+$0x320 ss:$0x1] =	vst.idx.msk $0xffff, v33;
	v30 =	vld.idx.msk [tilespmem:v0+s12+$0xF0 ss:$0x1], $0xffff;
	v61 =	vmul.f32 v56, v17;
	v26 =	vmul.f32 v54, v26  }
0xc9: {  	v58 =	vld.idx.msk [tilespmem:v0+s12+$0x330 ss:$0x1], $0xffff;
	[tilespmem:v0+s12+$0x180 ss:$0x1] =	vst.idx.msk $0xffff, v24;
	v17 =	vmul.f32 v55, v21;
	v24 =	vadd.f32 v15, v53  }
0xca: {  	v33 =	vmul.f32 v57, v59;
	v15 =	vld.idx.msk [tilespmem:v0+s12+$0x190 ss:$0x1], $0xffff;
	[tilespmem:v0+s12+$0x200 ss:$0x1] =	vst.idx.msk $0xffff, v26;
	v21 =	vmul.f32 v28, v29  }
0xcb: {  	vm1 =	vge.f32 v10, $0.0e+00;
	[tilespmem:v0+s14+$0x3F0 ss:$0x1] =	vst.idx.msk $0xffff, v61;
	v28 =	vadd.f32 v12, v31;
	v12 =	vbroadcast v4, $0x1;
	v31 =	vld.idx.msk [tilespmem:v0+s12+$0x210 ss:$0x1], $0xffff  }
0xcc: {  	v14 =	vnsel vm0, $0x0, v4;
	v29 =	vmul.f32 $2.000000030e-01, v24;
	v26 =	vmul.f32 $2.000000030e-01, v18;
	v11 =	vld.idx.msk [tilespmem:v0+s14+$0x400 ss:$0x1], $0xffff;
	[tilespmem:v0+s12+$0x3C0 ss:$0x1] =	vst.idx.msk $0xffff, v21  }
0xcd: {  	s20 =	smul.u32 $0xB400, s22;
	[tilespmem:v0+s12+$0x2A0 ss:$0x1] =	vst.idx.msk $0xffff, v17;
	vm2 =	vge.f32 v24, $0.0e+00;
	v63 =	vmul.f32 $2.000000030e-01, v28;
	v30 =	vmul.f32 v30, v22;
	v21 =	vld.idx.msk [tilespmem:v0+s12+$0x3D0 ss:$0x1], $0xffff  }
0xce: {  	[tilespmem:v0+s12+$0x460 ss:$0x1] =	vst.idx.msk $0xffff, v32;
	v17 =	vld.idx.msk [tilespmem:v0+s12+$0x2B0 ss:$0x1], $0xffff;
	vm3 =	vge.f32 v28, $0.0e+00;
	v22 =	vsel vm2, v24, v29;
	v29 =	vmul.f32 $2.000000030e-01, v27  }
0xcf: {  	s30 =	smov.u32 s12;
	s11 =	sshrl.u32 s20, $0x2;
	v24 =	vld.idx.msk [tilespmem:v0+s14+$0x90 ss:$0x1], $0xffff;
	[tilespmem:v0+s12+$0xF0 ss:$0x1] =	vst.idx.msk $0xffff, v30;
	v8 =	vsel vm3, v28, v63;
	v28 =	vmul.f32 v58, v60  }
0xd0: {  	s20 =	smov.u32 s14;
	s11 =	sadd.s32 $0x1180, s11;
	s13 =	simm.s32 $0x8;
	[tilespmem:v0+s14+$0x10 ss:$0x1] =	vst.idx.msk $0xffff, v33;
	vm2 =	vge.f32 v27, $0.0e+00;
	v9 =	vld.idx.msk [tilespmem:v0+s12+$0x100 ss:$0x1], $0xffff;
	v8 =	vmul.f32 $1.442695020e+00, v8;
	v30 =	vmul.f32 v31, v62  }
.LBB2_5:
0xd1: {  	s13 =	sadd.s32 $0x8, s13;
	v31 =	vld.idx.msk [tilespmem:v0+s14+$0x20 ss:$0x1], $0xffff;
	v29 =	vsel vm2, v27, v29;
	vm2 =	vge.f32 v18, $0.0e+00;
	s20 =	sadd.s32 $0x480, s20;
	v7 =	vmul.f32 v15, v7  }
0xd2: {  	v21 =	vmul.f32 v21, v25;
	v27 =	vld.idx.msk [tilespmem:v0+s20+$0x1B0 ss:$0x1], $0xffff;
	p1 =	slt.u32 s13, $0x48;
	v15 =	vmul.f32 $1.442695020e+00, v29;
	[tilespmem:v0+s30+$0x210 ss:$0x1] =	vst.idx.msk $0xffff, v30  }
0xd3: {  	v5 =	vmul.f32 v17, v5;
	v18 =	vsel vm2, v18, v26;
	v25 =	vld.idx.msk [tilespmem:v0+s30+$0x220 ss:$0x1], $0xffff;
	[tilespmem:v0+s30+$0x330 ss:$0x1] =	vst.idx.msk $0xffff, v28  }
0xd4: {  	v16 =	vadd.f32 v19, v16;
	v17 =	vmul.f32 $1.442695020e+00, v18;
	v18 =	vmul.f32 $1.442695020e+00, v22;
	v19 =	vld.idx.msk [tilespmem:v0+s30+$0x340 ss:$0x1], $0xffff;
	[tilespmem:v0+s30+$0x3D0 ss:$0x1] =	vst.idx.msk $0xffff, v21  }
0xd5: {  	v11 =	vmul.f32 v12, v11;
	v22 =	vld.idx.msk [tilespmem:v0+s14+$0x2D0 ss:$0x1], $0xffff;
	(erf) = vpow2.f32 v15;
	[tilespmem:v0+s30+$0x2B0 ss:$0x1] =	vst.idx.msk $0xffff, v5  }
0xd6: {  	v6 =	vmul.f32 v9, v6;
	v5 =	vmul.f32 $2.000000030e-01, v16;
	v28 =	vld.idx.msk [tilespmem:v0+s14+$0x360 ss:$0x1], $0xffff;
	[tilespmem:v0+s30+$0x190 ss:$0x1] =	vst.idx.msk $0xffff, v7  }
0xd7: {  	vm2 =	vge.f32 v16, $0.0e+00;
	v7 =	vmul.f32 $2.000000030e-01, v10;
	v21 =	vld.idx.msk [tilespmem:v0+s14+$0x240 ss:$0x1], $0xffff;
	[tilespmem:v0+s14+$0x400 ss:$0x1] =	vst.idx.msk $0xffff, v11;
	(erf) = vpow2.f32 v17  }
0xd8: {  	v15 =	vmul.f32 v23, v31;
	v5 =	vsel vm2, v16, v5;
	(erf) = vpow2.f32 v18;
	[tilespmem:v0+s30+$0x100 ss:$0x1] =	vst.idx.msk $0xffff, v6  }
0xd9: {  	v5 =	vmul.f32 $1.442695020e+00, v5;
	v7 =	vsel vm1, v10, v7;
	v3 =	vmul.f32 v25, v3;
	v6 =	vld.idx.msk [tilespmem:v0+s14+$0x120 ss:$0x1], $0xffff  }
0xda: {  	s10 =	sadd.s32 $0x80, s10;
	v10 =	vmul.f32 v19, v20;
	v17 =	vld.idx.msk [tilespmem:v0+s14+$0x410 ss:$0x1], $0xffff;
	(erf) = vpow2.f32 v8  }
0xdb: {  	v7 =	vmul.f32 $1.442695020e+00, v7;
	v8 =	vld [tilespmem:s10+$0x20];
	(erf) = vpow2.f32 v5;
	[tilespmem:v0+s30+$0x220 ss:$0x1] =	vst.idx.msk $0xffff, v3  }
0xdc: {  	v9 =	vld.idx.msk [tilespmem:v0+s20+$0x1A0 ss:$0x1], $0xffff;
	[tilespmem:v0+s30+$0x340 ss:$0x1] =	vst.idx.msk $0xffff, v10;
	s30 =	smov.u32 s14;
	s14 =	smov.u32 s20  }
0xdd: {  	v20 =	vbroadcast v2, $0x7;
	v11 =	vld [tilespmem:s10+$0x40];
	(erf) = vpow2.f32 v7  }
0xde: {  	v16 =	vbroadcast v4, $0x7;
	v3 =	vbroadcast v4, $0x2;
	v10 =	vld.idx.msk [tilespmem:v0+s20+$0x230 ss:$0x1], $0xffff;
	v23 =	vpop (erf)  }
0xdf: {  	v26 =	vbroadcast v2, $0x6;
	v12 =	vld [tilespmem:s10+$0x50];
	[tilespmem:v0+s30+$0x20 ss:$0x1] =	vst.idx.msk $0xffff, v15;
	v30 =	vnsel vm0, $0x0, v23;
	v5 =	vbroadcast v23, $0x0  }
0xe0: {  	v25 =	vbroadcast v2, $0x3;
	v3 =	vmul.f32 v3, v17;
	v7 =	vld.idx.msk [tilespmem:v0+s30+$0x30 ss:$0x1], $0xffff;
	v18 =	vpop (erf)  }
0xe1: {  	v15 =	vld [tilespmem:s10+$0x60];
	[tilespmem:v0+s30+$0x80 ss:$0x1] =	vst.idx.msk $0xffff, v13;
	v5 =	vmul.f32 v5, v6;
	v33 =	vnsel vm0, $0x0, v18;
	v6 =	vbroadcast v18, $0x0;
	v19 =	vpop (erf)  }
0xe2: {  	v29 =	vbroadcast v18, $0x1;
	v17 =	vld.idx.msk [tilespmem:v0+s20+$0x3F0 ss:$0x1], $0xffff;
	v34 =	vnsel vm0, $0x0, v19;
	v31 =	vbroadcast v19, $0x0;
	[tilespmem:v0+s30+$0x410 ss:$0x1] =	vst.idx.msk $0xffff, v3  }
0xe3: {  	v35 =	vbroadcast v4, $0x3;
	[tilespmem:v0+s30+$0x120 ss:$0x1] =	vst.idx.msk $0xffff, v5;
	v3 =	vmul.f32 v6, v21;
	v6 =	vld.idx.msk [tilespmem:v0+s30+$0x420 ss:$0x1], $0xffff;
	v21 =	vpop (erf)  }
0xe4: {  	v36 =	vld.idx.msk [tilespmem:v0+s30+$0x130 ss:$0x1], $0xffff;
	v13 =	vnsel vm0, $0x0, v21;
	v32 =	vbroadcast v21, $0x0;
	v28 =	vmul.f32 v31, v28;
	[tilespmem:v0+s30+$0x470 ss:$0x1] =	vst.idx.msk $0xffff, v14;
	v14 =	vpop (erf)  }
0xe5: {  	v5 =	vbroadcast v18, $0x7;
	v31 =	vld [tilespmem:s10+$0x70];
	v37 =	vnsel vm0, $0x0, v14;
	v38 =	vbroadcast v14, $0x0;
	[tilespmem:v0+s30+$0x240 ss:$0x1] =	vst.idx.msk $0xffff, v3  }
0xe6: {  	v7 =	vmul.f32 v7, v25;
	v39 =	vld.idx.msk [tilespmem:v0+s30+$0x250 ss:$0x1], $0xffff;
	v40 =	vmul.f32 v32, v22;
	[tilespmem:v0+s30+$0x360 ss:$0x1] =	vst.idx.msk $0xffff, v28;
	v22 =	vpop (erf)  }
0xe7: {  	[tilespmem:v0+s30+$0x110 ss:$0x1] =	vst.idx.msk $0xffff, v37;
	v24 =	vmul.f32 v38, v24;
	v25 =	vnsel vm0, $0x0, v22;
	v28 =	vbroadcast v22, $0x0;
	v37 =	vld.idx.msk [tilespmem:v0+s30+$0x370 ss:$0x1], $0xffff  }
0xe8: {  	v38 =	vbroadcast v23, $0x1;
	v3 =	vbroadcast v22, $0x7;
	v32 =	vld.idx.msk [tilespmem:v0+s20+$0x470 ss:$0x1], $0xffff;
	[tilespmem:v0+s30+$0x2D0 ss:$0x1] =	vst.idx.msk $0xffff, v40  }
0xe9: {  	v40 =	vbroadcast v19, $0x1;
	v35 =	vmul.f32 v6, v35;
	[tilespmem:v0+s30+$0x90 ss:$0x1] =	vst.idx.msk $0xffff, v24;
	v24 =	vld.idx.msk [tilespmem:v0+s30+$0x2E0 ss:$0x1], $0xffff  }
0xea: {  	v36 =	vmul.f32 v38, v36;
	v28 =	vmul.f32 v28, v1;
	[tilespmem:v0+s30+$0x30 ss:$0x1] =	vst.idx.msk $0xffff, v7;
	v41 =	vld.idx.msk [tilespmem:v0+s30+$0xA0 ss:$0x1], $0xffff  }
0xeb: {  	v6 =	vbroadcast v14, $0x7;
	v1 =	vmov v27;
	v7 =	vbroadcast v23, $0x7;
	v38 =	vld.idx.msk [tilespmem:v0+s30+$0x40 ss:$0x1], $0xffff;
	[tilespmem:v0+s30+$0x420 ss:$0x1] =	vst.idx.msk $0xffff, v35  }
0xec: {  	v27 =	vmul.f32 v29, v39;
	v29 =	vbroadcast v4, $0x6;
	[tilespmem:v0+s30+$0x130 ss:$0x1] =	vst.idx.msk $0xffff, v36;
	v35 =	vld.idx.msk [tilespmem:v0+s30+$0x430 ss:$0x1], $0xffff  }
0xed: {  	v37 =	vmul.f32 v40, v37;
	v36 =	vld.idx.msk [tilespmem:v0+s30+$0x140 ss:$0x1], $0xffff;
	[tilespmem:v0+s30+$0x1B0 ss:$0x1] =	vst.idx.msk $0xffff, v28;
	v28 =	vbroadcast v21, $0x1  }
0xee: {  	v39 =	vbroadcast v2, $0x4;
	v40 =	vbroadcast v14, $0x1;
	v42 =	vld.idx.msk [tilespmem:v0+s30+$0x1C0 ss:$0x1], $0xffff;
	[tilespmem:v0+s30+$0x250 ss:$0x1] =	vst.idx.msk $0xffff, v27  }
0xef: {  	v27 =	vbroadcast v22, $0x1;
	v43 =	vld.idx.msk [tilespmem:v0+s30+$0x260 ss:$0x1], $0xffff;
	v24 =	vmul.f32 v28, v24;
	[tilespmem:v0+s30+$0x370 ss:$0x1] =	vst.idx.msk $0xffff, v37  }
0xf0: {  	v28 =	vmul.f32 v40, v41;
	v37 =	vbroadcast v4, $0x4;
	[tilespmem:v0+s30+$0x3E0 ss:$0x1] =	vst.idx.msk $0xffff, v34;
	v34 =	vld.idx.msk [tilespmem:v0+s30+$0x380 ss:$0x1], $0xffff  }
0xf1: {  	v38 =	vmul.f32 v38, v39;
	v39 =	vbroadcast v23, $0x2;
	v40 =	vld [tilespmem:s10+$0x0];
	[tilespmem:v0+s30+$0x2E0 ss:$0x1] =	vst.idx.msk $0xffff, v24  }
0xf2: {  	v24 =	vmul.f32 v35, v37;
	[tilespmem:v0+s30+$0xA0 ss:$0x1] =	vst.idx.msk $0xffff, v28;
	v28 =	vbroadcast v18, $0x2;
	v41 =	vld.idx.msk [tilespmem:v0+s30+$0x2F0 ss:$0x1], $0xffff  }
0xf3: {  	v37 =	vbroadcast v19, $0x2;
	v36 =	vmul.f32 v39, v36;
	[tilespmem:v0+s30+$0x40 ss:$0x1] =	vst.idx.msk $0xffff, v38;
	v35 =	vld.idx.msk [tilespmem:v0+s30+$0xB0 ss:$0x1], $0xffff  }
0xf4: {  	v2 =	vbroadcast v2, $0x5;
	v27 =	vmul.f32 v27, v42;
	v38 =	vld.idx.msk [tilespmem:v0+s30+$0x50 ss:$0x1], $0xffff;
	[tilespmem:v0+s30+$0x430 ss:$0x1] =	vst.idx.msk $0xffff, v24  }
0xf5: {  	v24 =	vbroadcast v14, $0x6;
	v28 =	vmul.f32 v28, v43;
	v39 =	vld.idx.msk [tilespmem:v0+s20+$0x80 ss:$0x1], $0xffff;
	[tilespmem:v0+s30+$0x140 ss:$0x1] =	vst.idx.msk $0xffff, v36  }
0xf6: {  	v42 =	vbroadcast v21, $0x2;
	v34 =	vmul.f32 v37, v34;
	v36 =	vld.idx.msk [tilespmem:v0+s30+$0x150 ss:$0x1], $0xffff;
	[tilespmem:v0+s30+$0x1C0 ss:$0x1] =	vst.idx.msk $0xffff, v27  }
0xf7: {  	v37 =	vbroadcast v14, $0x2;
	v27 =	vbroadcast v23, $0x6;
	v43 =	vld.idx.msk [tilespmem:v0+s30+$0x1D0 ss:$0x1], $0xffff;
	[tilespmem:v0+s30+$0x260 ss:$0x1] =	vst.idx.msk $0xffff, v28  }
0xf8: {  	v28 =	vbroadcast v22, $0x5;
	v41 =	vmul.f32 v42, v41;
	v44 =	vld.idx.msk [tilespmem:v0+s30+$0x270 ss:$0x1], $0xffff;
	[tilespmem:v0+s30+$0x380 ss:$0x1] =	vst.idx.msk $0xffff, v34  }
0xf9: {  	v4 =	vbroadcast v4, $0x5;
	v34 =	vmul.f32 v37, v35;
	[tilespmem:v0+s30+$0x2C0 ss:$0x1] =	vst.idx.msk $0xffff, v33;
	v33 =	vld.idx.msk [tilespmem:v0+s30+$0x390 ss:$0x1], $0xffff  }
0xfa: {  	v35 =	vbroadcast v23, $0x3;
	v2 =	vmul.f32 v38, v2;
	[tilespmem:v0+s30+$0x2F0 ss:$0x1] =	vst.idx.msk $0xffff, v41;
	v37 =	vld.idx.msk [tilespmem:v0+s30+$0x440 ss:$0x1], $0xffff  }
0xfb: {  	v38 =	vadd.f32 v40, v39;
	v40 =	vbroadcast v19, $0x3;
	[tilespmem:v0+s30+$0xB0 ss:$0x1] =	vst.idx.msk $0xffff, v34;
	v34 =	vbroadcast v22, $0x2;
	v39 =	vld.idx.msk [tilespmem:v0+s30+$0x300 ss:$0x1], $0xffff  }
0xfc: {  	v35 =	vmul.f32 v36, v35;
	v36 =	vbroadcast v18, $0x3;
	[tilespmem:v0+s30+$0x50 ss:$0x1] =	vst.idx.msk $0xffff, v2;
	v2 =	vld.idx.msk [tilespmem:v0+s30+$0xC0 ss:$0x1], $0xffff  }
0xfd: {  	vm1 =	vge.f32 v38, $0.0e+00;
	v41 =	vmul.f32 $2.000000030e-01, v38;
	v42 =	vld.idx.msk [tilespmem:v0+s30+$0x60 ss:$0x1], $0xffff;
	[tilespmem:v0+s30+$0x1A0 ss:$0x1] =	vst.idx.msk $0xffff, v30;
	v34 =	vmul.f32 v34, v43  }
0xfe: {  	v30 =	vld [tilespmem:s10+$0x30];
	[tilespmem:v0+s30+$0x150 ss:$0x1] =	vst.idx.msk $0xffff, v35;
	v35 =	vmul.f32 v44, v36;
	v36 =	vbroadcast v21, $0x3  }
0xff: {  	v38 =	vsel vm1, v38, v41;
	v33 =	vmul.f32 v33, v40;
	v41 =	vld.idx.msk [tilespmem:v0+s30+$0x160 ss:$0x1], $0xffff;
	[tilespmem:v0+s30+$0x1D0 ss:$0x1] =	vst.idx.msk $0xffff, v34  }
0x100: {  	v34 =	vmul.f32 $1.442695020e+00, v38;
	v38 =	vbroadcast v14, $0x3;
	v40 =	vld.idx.msk [tilespmem:v0+s30+$0x1E0 ss:$0x1], $0xffff;
	[tilespmem:v0+s30+$0x270 ss:$0x1] =	vst.idx.msk $0xffff, v35  }
0x101: {  	v35 =	vbroadcast v22, $0x3;
	v36 =	vmul.f32 v39, v36;
	v43 =	vld.idx.msk [tilespmem:v0+s30+$0x280 ss:$0x1], $0xffff;
	[tilespmem:v0+s30+$0x390 ss:$0x1] =	vst.idx.msk $0xffff, v33  }
0x102: {  	v31 =	vadd.f32 v31, v32;
	v2 =	vmul.f32 v2, v38;
	(erf) = vpow2.f32 v34;
	v32 =	vld.idx.msk [tilespmem:v0+s30+$0x3A0 ss:$0x1], $0xffff  }
0x103: {  	v4 =	vmul.f32 v37, v4;
	v34 =	vbroadcast v23, $0x4;
	v33 =	vld.idx.msk [tilespmem:v0+s20+$0x0 ss:$0x1], $0xffff;
	[tilespmem:v0+s30+$0x300 ss:$0x1] =	vst.idx.msk $0xffff, v36  }
0x104: {  	vm1 =	vge.f32 v31, $0.0e+00;
	v26 =	vmul.f32 v42, v26;
	[tilespmem:v0+s30+$0xC0 ss:$0x1] =	vst.idx.msk $0xffff, v2;
	v2 =	vbroadcast v18, $0x4;
	v36 =	vld.idx.msk [tilespmem:v0+s30+$0x310 ss:$0x1], $0xffff  }
0x105: {  	v38 =	vbroadcast v19, $0x4;
	v34 =	vmul.f32 v41, v34;
	v37 =	vld.idx.msk [tilespmem:v0+s30+$0xD0 ss:$0x1], $0xffff;
	[tilespmem:v0+s30+$0x440 ss:$0x1] =	vst.idx.msk $0xffff, v4  }
0x106: {  	v4 =	vmul.f32 $2.000000030e-01, v31;
	[tilespmem:v0+s30+$0x60 ss:$0x1] =	vst.idx.msk $0xffff, v26;
	v26 =	vmul.f32 v40, v35;
	v35 =	vld.idx.msk [tilespmem:v0+s30+$0x450 ss:$0x1], $0xffff  }
0x107: {  	v2 =	vmul.f32 v43, v2;
	v39 =	vld.idx.msk [tilespmem:v0+s20+$0x2C0 ss:$0x1], $0xffff;
	[tilespmem:v0+s30+$0x160 ss:$0x1] =	vst.idx.msk $0xffff, v34;
	v34 =	vbroadcast v21, $0x4  }
0x108: {  	v4 =	vsel vm1, v31, v4;
	v31 =	vld.idx.msk [tilespmem:v0+s30+$0x170 ss:$0x1], $0xffff;
	[tilespmem:v0+s30+$0x1E0 ss:$0x1] =	vst.idx.msk $0xffff, v26;
	v26 =	vmul.f32 v32, v38  }
0x109: {  	v4 =	vmul.f32 $1.442695020e+00, v4;
	v32 =	vbroadcast v14, $0x4;
	v38 =	vld.idx.msk [tilespmem:v0+s30+$0x1F0 ss:$0x1], $0xffff;
	[tilespmem:v0+s30+$0x280 ss:$0x1] =	vst.idx.msk $0xffff, v2  }
0x10a: {  	v40 =	vbroadcast v22, $0x4;
	v34 =	vmul.f32 v36, v34;
	v41 =	vld.idx.msk [tilespmem:v0+s30+$0x290 ss:$0x1], $0xffff;
	[tilespmem:v0+s30+$0x3A0 ss:$0x1] =	vst.idx.msk $0xffff, v26  }
0x10b: {  	v2 =	vpop (erf);
	(erf) = vpow2.f32 v4;
	v4 =	vmul.f32 v37, v32;
	[tilespmem:v0+s30+$0x350 ss:$0x1] =	vst.idx.msk $0xffff, v13;
	v26 =	vld.idx.msk [tilespmem:v0+s30+$0x3B0 ss:$0x1], $0xffff  }
0x10c: {  	v23 =	vbroadcast v23, $0x5;
	v29 =	vmul.f32 v35, v29;
	v13 =	vnsel vm0, $0x0, v2;
	v32 =	vld.idx.msk [tilespmem:v0+s30+$0x70 ss:$0x1], $0xffff;
	[tilespmem:v0+s30+$0x310 ss:$0x1] =	vst.idx.msk $0xffff, v34  }
0x10d: {  	v35 =	vbroadcast v19, $0x5;
	v34 =	vbroadcast v2, $0x0;
	[tilespmem:v0+s30+$0xD0 ss:$0x1] =	vst.idx.msk $0xffff, v4;
	v4 =	vld.idx.msk [tilespmem:v0+s30+$0x320 ss:$0x1], $0xffff  }
0x10e: {  	v23 =	vmul.f32 v31, v23;
	v31 =	vbroadcast v18, $0x5;
	v36 =	vld.idx.msk [tilespmem:v0+s30+$0xE0 ss:$0x1], $0xffff;
	[tilespmem:v0+s30+$0x450 ss:$0x1] =	vst.idx.msk $0xffff, v29  }
0x10f: {  	v29 =	vmul.f32 v34, v33;
	[tilespmem:v0+s30+$0x230 ss:$0x1] =	vst.idx.msk $0xffff, v25;
	v25 =	vmul.f32 v38, v40;
	v33 =	vld.idx.msk [tilespmem:v0+s30+$0x460 ss:$0x1], $0xffff  }
0x110: {  	v14 =	vbroadcast v14, $0x5;
	v31 =	vmul.f32 v41, v31;
	v34 =	vld.idx.msk [tilespmem:v0+s20+$0x3E0 ss:$0x1], $0xffff;
	[tilespmem:v0+s30+$0x170 ss:$0x1] =	vst.idx.msk $0xffff, v23  }
0x111: {  	v26 =	vmul.f32 v26, v35;
	v37 =	vld.idx.msk [tilespmem:v0+s30+$0x180 ss:$0x1], $0xffff;
	[tilespmem:v0+s30+$0x1F0 ss:$0x1] =	vst.idx.msk $0xffff, v25;
	v25 =	vbroadcast v21, $0x5  }
0x112: {  	v23 =	vbroadcast v2, $0x2;
	v32 =	vmul.f32 v32, v20;
	v35 =	vld.idx.msk [tilespmem:v0+s30+$0x200 ss:$0x1], $0xffff;
	[tilespmem:v0+s30+$0x290 ss:$0x1] =	vst.idx.msk $0xffff, v31  }
0x113: {  	v20 =	vbroadcast v21, $0x7;
	v31 =	vld.idx.msk [tilespmem:v0+s30+$0x2A0 ss:$0x1], $0xffff;
	v38 =	vmul.f32 v4, v25;
	[tilespmem:v0+s30+$0x3B0 ss:$0x1] =	vst.idx.msk $0xffff, v26  }
0x114: {  	v26 =	vmul.f32 v36, v14;
	v25 =	vbroadcast v19, $0x7;
	v4 =	vpop (erf);
	[tilespmem:v0+s30+$0x70 ss:$0x1] =	vst.idx.msk $0xffff, v32;
	v32 =	vld.idx.msk [tilespmem:v0+s30+$0x3C0 ss:$0x1], $0xffff  }
0x115: {  	v16 =	vmul.f32 v33, v16;
	v36 =	vld.idx.msk [tilespmem:v0+s20+$0x350 ss:$0x1], $0xffff;
	v14 =	vnsel vm0, $0x0, v4;
	v40 =	vbroadcast v4, $0x0;
	[tilespmem:v0+s30+$0x320 ss:$0x1] =	vst.idx.msk $0xffff, v38  }
0x116: {  	v18 =	vbroadcast v18, $0x6;
	v33 =	vbroadcast v2, $0x1;
	[tilespmem:v0+s30+$0xE0 ss:$0x1] =	vst.idx.msk $0xffff, v26;
	v38 =	vld.idx.msk [tilespmem:v0+s30+$0x330 ss:$0x1], $0xffff  }
0x117: {  	v19 =	vbroadcast v19, $0x6;
	v27 =	vmul.f32 v37, v27;
	[tilespmem:v0+s20+$0x0 ss:$0x1] =	vst.idx.msk $0xffff, v29;
	v26 =	vld.idx.msk [tilespmem:v0+s30+$0xF0 ss:$0x1], $0xffff  }
0x118: {  	v28 =	vmul.f32 v35, v28;
	v35 =	vbroadcast v21, $0x6;
	v29 =	vld.idx.msk [tilespmem:v0+s20+$0x10 ss:$0x1], $0xffff;
	[tilespmem:v0+s30+$0x460 ss:$0x1] =	vst.idx.msk $0xffff, v16  }
0x119: {  	v37 =	vmul.f32 v40, v17;
	v17 =	vmul.f32 v31, v18;
	v16 =	vld.idx.msk [tilespmem:v0+s20+$0x110 ss:$0x1], $0xffff;
	[tilespmem:v0+s30+$0x180 ss:$0x1] =	vst.idx.msk $0xffff, v27  }
0x11a: {  	v31 =	vadd.f32 v15, v34;
	v19 =	vmul.f32 v32, v19;
	v15 =	vld.idx.msk [tilespmem:v0+s30+$0x190 ss:$0x1], $0xffff;
	[tilespmem:v0+s30+$0x200 ss:$0x1] =	vst.idx.msk $0xffff, v28  }
0x11b: {  	v34 =	vbroadcast v22, $0x6;
	v28 =	vadd.f32 v12, v36;
	v12 =	vbroadcast v4, $0x1;
	v32 =	vld.idx.msk [tilespmem:v0+s30+$0x210 ss:$0x1], $0xffff;
	[tilespmem:v0+s30+$0x2A0 ss:$0x1] =	vst.idx.msk $0xffff, v17  }
0x11c: {  	v18 =	vadd.f32 v11, v39;
	vm2 =	vge.f32 v31, $0.0e+00;
	v11 =	vmul.f32 $2.000000030e-01, v31;
	v17 =	vld.idx.msk [tilespmem:v0+s30+$0x2B0 ss:$0x1], $0xffff;
	[tilespmem:v0+s30+$0x3C0 ss:$0x1] =	vst.idx.msk $0xffff, v19  }
.Ltmp1:
0x11d: {  	v10 =	vadd.f32 v30, v10;
	v30 =	vmul.f32 $2.000000030e-01, v28;
	v24 =	vmul.f32 v26, v24;
	v21 =	vld.idx.msk [tilespmem:v0+s30+$0x3D0 ss:$0x1], $0xffff;
	(pc) =	sbr.rel @p1 .LBB2_5-.Ltmp1, $4  }
0x11e: {  	v27 =	vadd.f32 v8, v9;
	v26 =	vmul.f32 $2.000000030e-01, v18;
	v33 =	vmul.f32 v33, v29;
	v19 =	vld [tilespmem:s10+$0x10];
	[tilespmem:v0+s20+$0x3F0 ss:$0x1] =	vst.idx.msk $0xffff, v37  }
0x11f: {  	vm1 =	vge.f32 v10, $0.0e+00;
	vm3 =	vge.f32 v28, $0.0e+00;
	v22 =	vsel vm2, v31, v11;
	v11 =	vld.idx.msk [tilespmem:v0+s20+$0x400 ss:$0x1], $0xffff;
	[tilespmem:v0+s30+$0xF0 ss:$0x1] =	vst.idx.msk $0xffff, v24  }
0x120: {  	v29 =	vmul.f32 $2.000000030e-01, v27;
	v8 =	vsel vm3, v28, v30;
	v28 =	vmul.f32 v38, v35;
	v9 =	vld.idx.msk [tilespmem:v0+s30+$0x100 ss:$0x1], $0xffff  }
0x121: {  	vm2 =	vge.f32 v27, $0.0e+00;
	v8 =	vmul.f32 $1.442695020e+00, v8;
	v30 =	vmul.f32 v32, v34;
	[tilespmem:v0+s20+$0x10 ss:$0x1] =	vst.idx.msk $0xffff, v33;
	v24 =	vld.idx.msk [tilespmem:v0+s20+$0x90 ss:$0x1], $0xffff  }
0x122: {  	_ =	sdelay $0x1  }
0x123: {  	v27 =	vsel vm2, v27, v29;
	vm2 =	vge.f32 v18, $0.0e+00;
	v7 =	vmul.f32 v15, v7  }
0x124: {  	v21 =	vmul.f32 v21, v25;
	v38 =	vmul.f32 $1.442695020e+00, v27;
	v18 =	vsel vm2, v18, v26  }
0x125: {  	v39 =	vmul.f32 $1.442695020e+00, v22;
	v16 =	vadd.f32 v19, v16;
	[tilespmem:v0+s30+$0x210 ss:$0x1] =	vst.idx.msk $0xffff, v30;
	v18 =	vmul.f32 $1.442695020e+00, v18  }
0x126: {  	v42 =	vmul.f32 $2.000000030e-01, v10;
	v41 =	vld.idx.msk [tilespmem:v0+s30+$0x220 ss:$0x1], $0xffff;
	(erf) = vpow2.f32 v38  }
0x127: {  	v40 =	vmul.f32 $2.000000030e-01, v16;
	(erf) = vpow2.f32 v18  }
0x128: {  	v5 =	vmul.f32 v17, v5;
	v43 =	vld.idx.msk [tilespmem:v0+s14+$0x20 ss:$0x1], $0xffff;
	v11 =	vmul.f32 v12, v11;
	vm2 =	vge.f32 v16, $0.0e+00  }
0x129: {  	[tilespmem:v0+s30+$0x330 ss:$0x1] =	vst.idx.msk $0xffff, v28;
	v10 =	vsel vm1, v10, v42;
	v15 =	vsel vm2, v16, v40;
	(erf) = vpow2.f32 v39  }
0x12a: {  	v45 =	vld.idx.msk [tilespmem:v0+s30+$0x340 ss:$0x1], $0xffff;
	[tilespmem:v0+s30+$0x3D0 ss:$0x1] =	vst.idx.msk $0xffff, v21;
	v46 =	vmul.f32 $1.442695020e+00, v10;
	v44 =	vmul.f32 $1.442695020e+00, v15  }
0x12b: {  	[tilespmem:v0+s14+$0x400 ss:$0x1] =	vst.idx.msk $0xffff, v11;
	(erf) = vpow2.f32 v8;
	v3 =	vmul.f32 v41, v3  }
0x12c: {  	[tilespmem:v0+s30+$0x2B0 ss:$0x1] =	vst.idx.msk $0xffff, v5;
	v47 =	vmul.f32 v9, v6;
	v48 =	vld.idx.msk [tilespmem:v0+s14+$0x410 ss:$0x1], $0xffff;
	(erf) = vpow2.f32 v44  }
0x12d: {  	v49 =	vld.idx.msk [tilespmem:v0+s14+$0x120 ss:$0x1], $0xffff;
	[tilespmem:v0+s30+$0x190 ss:$0x1] =	vst.idx.msk $0xffff, v7  }
0x12e: {  	v50 =	vld.idx.msk [tilespmem:v0+s14+$0x240 ss:$0x1], $0xffff;
	v51 =	vmul.f32 v23, v43;
	[tilespmem:v0+s30+$0x100 ss:$0x1] =	vst.idx.msk $0xffff, v47;
	(erf) = vpow2.f32 v46  }
0x12f: {  	v54 =	vbroadcast v4, $0x2;
	v53 =	vmul.f32 v45, v20;
	[tilespmem:v0+s30+$0x220 ss:$0x1] =	vst.idx.msk $0xffff, v3;
	v3 =	vpop (erf)  }
0x130: {  	v52 =	vld.idx.msk [tilespmem:v0+s14+$0x360 ss:$0x1], $0xffff;
	[tilespmem:v0+s14+$0x20 ss:$0x1] =	vst.idx.msk $0xffff, v51;
	v55 =	vbroadcast v3, $0x0;
	v6 =	vpop (erf)  }
0x131: {  	v60 =	vld.idx.msk [tilespmem:v0+s14+$0x2D0 ss:$0x1], $0xffff;
	[tilespmem:v0+s30+$0x340 ss:$0x1] =	vst.idx.msk $0xffff, v53;
	v57 =	vmul.f32 v54, v48;
	v58 =	vbroadcast v6, $0x0  }
0x132: {  	v56 =	vld.idx.msk [tilespmem:v0+s14+$0x30 ss:$0x1], $0xffff;
	[tilespmem:v0+s14+$0x80 ss:$0x1] =	vst.idx.msk $0xffff, v13;
	v7 =	vpop (erf);
	v10 =	vmul.f32 v55, v49  }
0x133: {  	[tilespmem:v0+s14+$0x410 ss:$0x1] =	vst.idx.msk $0xffff, v57;
	v59 =	vbroadcast v7, $0x0;
	v9 =	vmul.f32 v58, v50  }
0x134: {  	v61 =	vld.idx.msk [tilespmem:v0+s14+$0x420 ss:$0x1], $0xffff;
	[tilespmem:v0+s14+$0x470 ss:$0x1] =	vst.idx.msk $0xffff, v14;
	v5 =	vpop (erf)  }
0x135: {  	v21 =	vbroadcast v5, $0x0;
	[tilespmem:v0+s14+$0x120 ss:$0x1] =	vst.idx.msk $0xffff, v10;
	v11 =	vmul.f32 v59, v52;
	v8 =	vpop (erf)  }
0x136: {  	v62 =	vld.idx.msk [tilespmem:v0+s14+$0x130 ss:$0x1], $0xffff;
	v63 =	vbroadcast v8, $0x0;
	[tilespmem:v0+s14+$0x240 ss:$0x1] =	vst.idx.msk $0xffff, v9  }
0x137: {  	v42 =	vbroadcast v4, $0x3;
	v23 =	vnsel vm0, $0x0, v8;
	v13 =	vmul.f32 v21, v60;
	v22 =	vld.idx.msk [tilespmem:v0+s14+$0x250 ss:$0x1], $0xffff;
	[tilespmem:v0+s14+$0x360 ss:$0x1] =	vst.idx.msk $0xffff, v11;
	v9 =	vpop (erf)  }
0x138: {  	[tilespmem:v0+s14+$0x110 ss:$0x1] =	vst.idx.msk $0xffff, v23;
	v25 =	vmul.f32 v63, v24;
	v27 =	vld.idx.msk [tilespmem:v0+s14+$0x370 ss:$0x1], $0xffff;
	v26 =	vbroadcast v9, $0x0  }
0x139: {  	v28 =	vbroadcast v3, $0x1;
	v10 =	vmul.f32 v61, v42;
	[tilespmem:v0+s14+$0x2D0 ss:$0x1] =	vst.idx.msk $0xffff, v13  }
0x13a: {  	v29 =	vbroadcast v6, $0x1;
	[tilespmem:v0+s14+$0x90 ss:$0x1] =	vst.idx.msk $0xffff, v25;
	v1 =	vmul.f32 v26, v1  }
0x13b: {  	v30 =	vbroadcast v7, $0x1;
	[tilespmem:v0+s14+$0x420 ss:$0x1] =	vst.idx.msk $0xffff, v10;
	v14 =	vld.idx.msk [tilespmem:v0+s14+$0xA0 ss:$0x1], $0xffff;
	v11 =	vmul.f32 v28, v62  }
0x13c: {  	v33 =	vbroadcast v2, $0x3;
	v31 =	vld.idx.msk [tilespmem:v0+s14+$0x2E0 ss:$0x1], $0xffff;
	v32 =	vmul.f32 v29, v22;
	[tilespmem:v0+s14+$0x1B0 ss:$0x1] =	vst.idx.msk $0xffff, v1  }
0x13d: {  	[tilespmem:v0+s14+$0x130 ss:$0x1] =	vst.idx.msk $0xffff, v11;
	v34 =	vmul.f32 v30, v27;
	v35 =	vld.idx.msk [tilespmem:v0+s14+$0x1C0 ss:$0x1], $0xffff  }
0x13e: {  	v36 =	vbroadcast v8, $0x1;
	v21 =	vld.idx.msk [tilespmem:v0+s14+$0x430 ss:$0x1], $0xffff;
	v1 =	vmul.f32 v56, v33;
	[tilespmem:v0+s14+$0x250 ss:$0x1] =	vst.idx.msk $0xffff, v32  }
0x13f: {  	v39 =	vbroadcast v5, $0x1;
	v38 =	vld.idx.msk [tilespmem:v0+s14+$0x140 ss:$0x1], $0xffff;
	[tilespmem:v0+s14+$0x370 ss:$0x1] =	vst.idx.msk $0xffff, v34  }
0x140: {  	v37 =	vnsel vm0, $0x0, v7;
	v40 =	vbroadcast v9, $0x1;
	v41 =	vld.idx.msk [tilespmem:v0+s14+$0x260 ss:$0x1], $0xffff;
	[tilespmem:v0+s14+$0x30 ss:$0x1] =	vst.idx.msk $0xffff, v1;
	v14 =	vmul.f32 v36, v14  }
0x141: {  	v27 =	vbroadcast v4, $0x4;
	v43 =	vmul.f32 v39, v31;
	[tilespmem:v0+s14+$0x3E0 ss:$0x1] =	vst.idx.msk $0xffff, v37  }
0x142: {  	v45 =	vbroadcast v3, $0x2;
	v44 =	vld.idx.msk [tilespmem:v0+s14+$0x380 ss:$0x1], $0xffff;
	[tilespmem:v0+s14+$0xA0 ss:$0x1] =	vst.idx.msk $0xffff, v14;
	v11 =	vmul.f32 v40, v35  }
0x143: {  	v46 =	vbroadcast v6, $0x2;
	v32 =	vmul.f32 v21, v27;
	[tilespmem:v0+s14+$0x2E0 ss:$0x1] =	vst.idx.msk $0xffff, v43;
	v47 =	vld.idx.msk [tilespmem:v0+s14+$0xB0 ss:$0x1], $0xffff  }
0x144: {  	v48 =	vld.idx.msk [tilespmem:v0+s14+$0x2F0 ss:$0x1], $0xffff;
	v15 =	vmul.f32 v45, v38;
	[tilespmem:v0+s14+$0x1C0 ss:$0x1] =	vst.idx.msk $0xffff, v11  }
0x145: {  	v49 =	vbroadcast v7, $0x2;
	[tilespmem:v0+s14+$0x430 ss:$0x1] =	vst.idx.msk $0xffff, v32;
	v1 =	vmul.f32 v46, v41;
	v50 =	vld.idx.msk [tilespmem:v0+s14+$0x1D0 ss:$0x1], $0xffff  }
0x146: {  	v52 =	vbroadcast v8, $0x2;
	[tilespmem:v0+s14+$0x140 ss:$0x1] =	vst.idx.msk $0xffff, v15  }
0x147: {  	v53 =	vbroadcast v5, $0x2;
	v63 =	vnsel vm0, $0x0, v3;
	v51 =	vmul.f32 v49, v44;
	v15 =	vld.idx.msk [tilespmem:v0+s14+$0x150 ss:$0x1], $0xffff;
	[tilespmem:v0+s14+$0x260 ss:$0x1] =	vst.idx.msk $0xffff, v1  }
0x148: {  	v57 =	vbroadcast v9, $0x2;
	[tilespmem:v0+s14+$0x1A0 ss:$0x1] =	vst.idx.msk $0xffff, v63;
	v55 =	vld.idx.msk [tilespmem:v0+s14+$0x270 ss:$0x1], $0xffff;
	v56 =	vmul.f32 v52, v47  }
0x149: {  	v60 =	vld.idx.msk [tilespmem:v0+s14+$0x40 ss:$0x1], $0xffff;
	v58 =	vmul.f32 v53, v48;
	[tilespmem:v0+s14+$0x380 ss:$0x1] =	vst.idx.msk $0xffff, v51  }
0x14a: {  	v61 =	vbroadcast v3, $0x3;
	v59 =	vld.idx.msk [tilespmem:v0+s14+$0x390 ss:$0x1], $0xffff;
	[tilespmem:v0+s14+$0xB0 ss:$0x1] =	vst.idx.msk $0xffff, v56;
	v10 =	vmul.f32 v57, v50  }
0x14b: {  	v62 =	vbroadcast v6, $0x3;
	[tilespmem:v0+s14+$0x2F0 ss:$0x1] =	vst.idx.msk $0xffff, v58;
	v11 =	vld.idx.msk [tilespmem:v0+s14+$0xC0 ss:$0x1], $0xffff  }
0x14c: {  	v54 =	vnsel vm0, $0x0, v6;
	v23 =	vbroadcast v2, $0x4;
	v25 =	vld.idx.msk [tilespmem:v0+s14+$0x300 ss:$0x1], $0xffff;
	v15 =	vmul.f32 v15, v61;
	[tilespmem:v0+s14+$0x1D0 ss:$0x1] =	vst.idx.msk $0xffff, v10  }
0x14d: {  	v22 =	vbroadcast v7, $0x3;
	[tilespmem:v0+s14+$0x2C0 ss:$0x1] =	vst.idx.msk $0xffff, v54;
	v12 =	vmul.f32 v55, v62;
	v24 =	vld.idx.msk [tilespmem:v0+s14+$0x1E0 ss:$0x1], $0xffff  }
0x14e: {  	v26 =	vbroadcast v8, $0x3;
	[tilespmem:v0+s14+$0x150 ss:$0x1] =	vst.idx.msk $0xffff, v15;
	v10 =	vmul.f32 v60, v23  }
0x14f: {  	v33 =	vbroadcast v5, $0x3;
	v1 =	vmul.f32 v59, v22;
	v28 =	vld.idx.msk [tilespmem:v0+s14+$0x160 ss:$0x1], $0xffff;
	[tilespmem:v0+s14+$0x270 ss:$0x1] =	vst.idx.msk $0xffff, v12  }
0x150: {  	v29 =	vbroadcast v9, $0x3;
	v30 =	vld.idx.msk [tilespmem:v0+s14+$0x280 ss:$0x1], $0xffff;
	[tilespmem:v0+s14+$0x40 ss:$0x1] =	vst.idx.msk $0xffff, v10;
	v31 =	vmul.f32 v11, v26  }
0x151: {  	v10 =	vmul.f32 v25, v33;
	[tilespmem:v0+s14+$0x390 ss:$0x1] =	vst.idx.msk $0xffff, v1  }
0x152: {  	v35 =	vbroadcast v3, $0x4;
	v34 =	vld.idx.msk [tilespmem:v0+s14+$0x3A0 ss:$0x1], $0xffff;
	[tilespmem:v0+s14+$0xC0 ss:$0x1] =	vst.idx.msk $0xffff, v31;
	v36 =	vmul.f32 v24, v29  }
0x153: {  	v37 =	vbroadcast v6, $0x4;
	[tilespmem:v0+s14+$0x300 ss:$0x1] =	vst.idx.msk $0xffff, v10;
	v38 =	vld.idx.msk [tilespmem:v0+s14+$0xD0 ss:$0x1], $0xffff  }
0x154: {  	v47 =	vnsel vm0, $0x0, v5;
	v43 =	vld.idx.msk [tilespmem:v0+s14+$0x310 ss:$0x1], $0xffff;
	v39 =	vmul.f32 v28, v35;
	[tilespmem:v0+s14+$0x1E0 ss:$0x1] =	vst.idx.msk $0xffff, v36  }
0x155: {  	v40 =	vbroadcast v7, $0x4;
	[tilespmem:v0+s14+$0x350 ss:$0x1] =	vst.idx.msk $0xffff, v47;
	v41 =	vmul.f32 v30, v37;
	v42 =	vld.idx.msk [tilespmem:v0+s14+$0x1F0 ss:$0x1], $0xffff  }
0x156: {  	v45 =	vbroadcast v8, $0x4;
	v46 =	vld.idx.msk [tilespmem:v0+s14+$0x50 ss:$0x1], $0xffff;
	[tilespmem:v0+s14+$0x160 ss:$0x1] =	vst.idx.msk $0xffff, v39  }
0x157: {  	v48 =	vld.idx.msk [tilespmem:v0+s14+$0x440 ss:$0x1], $0xffff;
	v52 =	vnsel vm0, $0x0, v9;
	v50 =	vbroadcast v5, $0x4;
	v44 =	vmul.f32 v34, v40;
	[tilespmem:v0+s14+$0x280 ss:$0x1] =	vst.idx.msk $0xffff, v41  }
0x158: {  	v49 =	vbroadcast v9, $0x4;
	v56 =	vld.idx.msk [tilespmem:v0+s14+$0x170 ss:$0x1], $0xffff;
	[tilespmem:v0+s14+$0x230 ss:$0x1] =	vst.idx.msk $0xffff, v52;
	v12 =	vmul.f32 v38, v45  }
0x159: {  	v53 =	vbroadcast v2, $0x5;
	v54 =	vld.idx.msk [tilespmem:v0+s14+$0x290 ss:$0x1], $0xffff;
	v11 =	vmul.f32 v43, v50;
	[tilespmem:v0+s14+$0x3A0 ss:$0x1] =	vst.idx.msk $0xffff, v44  }
0x15a: {  	v55 =	vbroadcast v4, $0x5;
	v51 =	vld.idx.msk [tilespmem:v0+s14+$0x3B0 ss:$0x1], $0xffff;
	[tilespmem:v0+s14+$0xD0 ss:$0x1] =	vst.idx.msk $0xffff, v12;
	v10 =	vmul.f32 v42, v49  }
0x15b: {  	v63 =	vbroadcast v3, $0x5;
	v57 =	vmul.f32 v46, v53;
	[tilespmem:v0+s14+$0x310 ss:$0x1] =	vst.idx.msk $0xffff, v11;
	v59 =	vld.idx.msk [tilespmem:v0+s14+$0xE0 ss:$0x1], $0xffff  }
0x15c: {  	v61 =	vbroadcast v6, $0x5;
	v60 =	vmul.f32 v48, v55;
	v21 =	vld.idx.msk [tilespmem:v0+s14+$0x320 ss:$0x1], $0xffff;
	[tilespmem:v0+s14+$0x1F0 ss:$0x1] =	vst.idx.msk $0xffff, v10  }
0x15d: {  	v58 =	vbroadcast v7, $0x5;
	[tilespmem:v0+s14+$0x50 ss:$0x1] =	vst.idx.msk $0xffff, v57;
	v13 =	vmul.f32 v56, v63;
	v62 =	vld.idx.msk [tilespmem:v0+s14+$0x200 ss:$0x1], $0xffff  }
0x15e: {  	v23 =	vbroadcast v8, $0x5;
	[tilespmem:v0+s14+$0x440 ss:$0x1] =	vst.idx.msk $0xffff, v60;
	v22 =	vld.idx.msk [tilespmem:v0+s14+$0x60 ss:$0x1], $0xffff;
	v11 =	vmul.f32 v54, v61  }
0x15f: {  	v26 =	vbroadcast v5, $0x5;
	v25 =	vld.idx.msk [tilespmem:v0+s14+$0x450 ss:$0x1], $0xffff;
	[tilespmem:v0+s14+$0x170 ss:$0x1] =	vst.idx.msk $0xffff, v13;
	v1 =	vmul.f32 v51, v58  }
0x160: {  	v24 =	vbroadcast v9, $0x5;
	[tilespmem:v0+s14+$0x290 ss:$0x1] =	vst.idx.msk $0xffff, v11;
	v31 =	vld.idx.msk [tilespmem:v0+s14+$0x180 ss:$0x1], $0xffff;
	v10 =	vmul.f32 v59, v23  }
0x161: {  	v28 =	vbroadcast v2, $0x6;
	v29 =	vld.idx.msk [tilespmem:v0+s14+$0x2A0 ss:$0x1], $0xffff;
	[tilespmem:v0+s14+$0x3B0 ss:$0x1] =	vst.idx.msk $0xffff, v1;
	v1 =	vmul.f32 v21, v26  }
0x162: {  	v30 =	vbroadcast v4, $0x6;
	v27 =	vld.idx.msk [tilespmem:v0+s14+$0x3C0 ss:$0x1], $0xffff;
	[tilespmem:v0+s14+$0xE0 ss:$0x1] =	vst.idx.msk $0xffff, v10;
	v12 =	vmul.f32 v62, v24  }
0x163: {  	v38 =	vbroadcast v3, $0x6;
	v32 =	vmul.f32 v22, v28;
	[tilespmem:v0+s14+$0x320 ss:$0x1] =	vst.idx.msk $0xffff, v1;
	v33 =	vld.idx.msk [tilespmem:v0+s14+$0xF0 ss:$0x1], $0xffff  }
0x164: {  	v36 =	vbroadcast v6, $0x6;
	v35 =	vmul.f32 v25, v30;
	v39 =	vld.idx.msk [tilespmem:v0+s14+$0x330 ss:$0x1], $0xffff;
	[tilespmem:v0+s14+$0x200 ss:$0x1] =	vst.idx.msk $0xffff, v12  }
0x165: {  	v34 =	vbroadcast v7, $0x6;
	[tilespmem:v0+s14+$0x60 ss:$0x1] =	vst.idx.msk $0xffff, v32;
	v42 =	vmul.f32 v31, v38;
	v37 =	vld.idx.msk [tilespmem:v0+s14+$0x210 ss:$0x1], $0xffff  }
0x166: {  	v40 =	vbroadcast v8, $0x6;
	[tilespmem:v0+s14+$0x450 ss:$0x1] =	vst.idx.msk $0xffff, v35;
	v41 =	vld.idx.msk [tilespmem:v0+s14+$0x70 ss:$0x1], $0xffff;
	v1 =	vmul.f32 v29, v36  }
0x167: {  	v44 =	vbroadcast v5, $0x6;
	v12 =	vld.idx.msk [tilespmem:v0+s14+$0x460 ss:$0x1], $0xffff;
	[tilespmem:v0+s14+$0x180 ss:$0x1] =	vst.idx.msk $0xffff, v42;
	v11 =	vmul.f32 v27, v34  }
0x168: {  	v43 =	vbroadcast v9, $0x6;
	[tilespmem:v0+s14+$0x2A0 ss:$0x1] =	vst.idx.msk $0xffff, v1;
	v51 =	vld.idx.msk [tilespmem:v0+s14+$0x190 ss:$0x1], $0xffff;
	v45 =	vmul.f32 v33, v40  }
0x169: {  	v47 =	vbroadcast v2, $0x7;
	v48 =	vld.idx.msk [tilespmem:v0+s14+$0x2B0 ss:$0x1], $0xffff;
	[tilespmem:v0+s14+$0x3C0 ss:$0x1] =	vst.idx.msk $0xffff, v11;
	v52 =	vmul.f32 v39, v44  }
0x16a: {  	v50 =	vbroadcast v4, $0x7;
	v46 =	vld.idx.msk [tilespmem:v0+s14+$0x3D0 ss:$0x1], $0xffff;
	[tilespmem:v0+s14+$0xF0 ss:$0x1] =	vst.idx.msk $0xffff, v45;
	v49 =	vmul.f32 v37, v43  }
0x16b: {  	v55 =	vbroadcast v3, $0x7;
	v2 =	vmul.f32 v41, v47;
	[tilespmem:v0+s14+$0x330 ss:$0x1] =	vst.idx.msk $0xffff, v52;
	v53 =	vld.idx.msk [tilespmem:v0+s14+$0x100 ss:$0x1], $0xffff  }
0x16c: {  	v6 =	vbroadcast v6, $0x7;
	v4 =	vmul.f32 v12, v50;
	v57 =	vld.idx.msk [tilespmem:v0+s14+$0x340 ss:$0x1], $0xffff;
	[tilespmem:v0+s14+$0x210 ss:$0x1] =	vst.idx.msk $0xffff, v49  }
0x16d: {  	v7 =	vbroadcast v7, $0x7;
	[tilespmem:v0+s14+$0x70 ss:$0x1] =	vst.idx.msk $0xffff, v2;
	v1 =	vmul.f32 v51, v55;
	v54 =	vld.idx.msk [tilespmem:v0+s14+$0x220 ss:$0x1], $0xffff  }
0x16e: {  	v58 =	vbroadcast v8, $0x7;
	[tilespmem:v0+s14+$0x460 ss:$0x1] =	vst.idx.msk $0xffff, v4;
	v59 =	vmul.f32 v48, v6  }
0x16f: {  	v61 =	vbroadcast v5, $0x7;
	[tilespmem:v0+s14+$0x190 ss:$0x1] =	vst.idx.msk $0xffff, v1;
	v56 =	vmul.f32 v46, v7  }
0x170: {  	s0 =	sand.u32 $0x3, s0;
	v60 =	vbroadcast v9, $0x7;
	[tilespmem:v0+s14+$0x2B0 ss:$0x1] =	vst.idx.msk $0xffff, v59;
	v62 =	vmul.f32 v53, v58  }
0x171: {  	p1 =	sne.s32 s3, $0x7D;
	s0 =	smul.u32 $0x140, s0;
	[tilespmem:v0+s14+$0x3D0 ss:$0x1] =	vst.idx.msk $0xffff, v56;
	v2 =	vmul.f32 v57, v61  }
.Ltmp2:
0x172: {  	[tilespmem:v0+s14+$0x100 ss:$0x1] =	vst.idx.msk $0xffff, v62;
	v63 =	vmul.f32 v54, v60;
	(pc) =	sbr.rel @p1 .LBB2_2-.Ltmp2, $4  }
0x173: {  	s0 =	sshrl.u32 s0, $0x2;
	[tilespmem:v0+s14+$0x340 ss:$0x1] =	vst.idx.msk $0xffff, v2  }
0x174: {  	s10 =	sadd.s32 $0x8, s22;
	s0 =	sadd.s32 $0x140, s0;
	[tilespmem:v0+s14+$0x220 ss:$0x1] =	vst.idx.msk $0xffff, v63  }
0x175: {  	[spmem:s2] =	stream.indirect.scatter.add.f32 [tilespmem:s11], [sflag:s10], $0x90, s0, s21, $0xb8;
	[tilespmem:$0x1F810] =	vst v63  }
0x176: {  	s12 =	sadd.s32 $0x2D00, s12;
	s31 =	sadd.s32 $0x500, s31;
	s0 =	smov.u32 s3  }
0x177: {  	_ =	swait.ge [sflag:s24], $0x2D00  }
0x178: {  	[sflag:s24] =	ssyncset.done $0x0  }
0x179: {  	[sflag:s24] =	ssyncadd.s32 $0xFFFFD300  }
0x17a: {  	_ =	swait.ge [sflag:s26], $0x2D00  }
0x17b: {  	[sflag:s26] =	ssyncset.done $0x0  }
0x17c: {  	[sflag:s26] =	ssyncadd.s32 $0xFFFFD300  }
0x17d: {  	_ =	swait.ge [sflag:s28], $0x2D00  }
0x17e: {  	[sflag:s28] =	ssyncset.done $0x0  }
0x17f: {  	[sflag:s28] =	ssyncadd.s32 $0xFFFFD300  }
0x180: {  	s0 =	simm.s32 @p0 $0x1FCB;
	[bflag:$0x0] =	sbarrier.arrive $0xFFFF  }
0x181: {  	[hbm:s15], [sflag:s0] =	dma.local @p0 [spmem:s17], $0x2490  }
0x182: {  	s0 =	simm.s32 @p0 $0xB  }
0x183: {  	_ =	swait.ge @p0 [sflag:s0], $0x2490  }
0x184: {  	s29 =	sadd.s32 $0x1, s29;
	[sflag:s0] =	ssyncset.done @p0 $0x0  }
0x185: {  	p1 =	sne.s32 s29, s16;
	[sflag:s0] =	ssyncadd.s32 @p0 $0xFFFFDB70;
	s0 =	rddreg [dreg:$0x8]  }
0x186: {  	[hbm:s0], [sflag:s18] =	dma.local @!p0 [spmem:s25], $0x2C70  }
.Ltmp3:
0x187: {  	_ = 	snop;
	(pc) =	sbr.rel @p1 .LBB2_1-.Ltmp3, $4  }
0x188: {  	s0 =	simm.s32 @!p0 $0xB  }
0x189: {  	_ =	swait.ge @!p0 [sflag:s0], $0x2C70  }
0x18a: {  	[sflag:s0] =	ssyncset.done @!p0 $0x0  }
0x18b: {  	[sflag:s0] =	ssyncadd.s32 @!p0 $0xFFFFD390  }
0x18c: {  	_ =	sfence.sel $0x180000  }
0x18d: {  	[bflag:$0x0] =	sbarrier.arrive $0xFFFF  }
0x18e: {  	_ =	strace $0x90000047  }
0x18f: {  	s0 =	stileid.u32;
	[bflag:$0x2] =	sbarrier.arrive $0xFFFF  }
0x190: {  	p0 =	sne.s32 s0, $0x0;
	s0 =	rddreg [dreg:$0x3]  }
0x191: {  	s0 =	sadd.s32 @!p0 $0x100000, s0  }
0x192: {  	[sflag:s0] =	ssyncadd.tile.s32 @!p0 $0x1;
	_ =	shalt  }
.Lfunc_end2:
_tile_overlayer_lowered:
.L_overlay_start_2:
0x193: {  	(tag) =	ssettag $0x2  }
0x194: {  	s0 =	rddreg [dreg:$0x0];
	s2 =	stileid.u32  }
0x195: {  	s1 =	rddreg [dreg:$0x1];
	p0 =	sne.s32 s2, $0x0  }
0x196: {  	s3 =	rddreg [dreg:$0x2];
	[bflag:$0x3] =	sbarrier.arrive $0xFFFF;
	s2 =	simm.s32 @!p0 $0x1C0B  }
0x197: {  	[timem:s3], [sflag:s2] =	dma.local @!p0 [hbm:s0], s1  }
0x198: {  	s0 =	simm.s32 @!p0 $0xB  }
0x199: {  	_ =	swait.ge @!p0 [sflag:s0], s1  }
0x19a: {  	s1 =	ssub.s32 @!p0 $0x0, s1;
	[sflag:s0] =	ssyncset.done @!p0 $0x0  }
0x19b: {  	[sflag:s0] =	ssyncadd.s32 @!p0 s1  }
0x19c: {  	[bflag:$0x3] =	sbarrier.arrive $0xFFFF  }
0x19d: {  	_ =	shalt  }

</sc_bundles>
